<compile_context>
chip_gen: v7x
topology: tpu7x:2x2x1
jax: 0.10.2.dev20260603
libtpu: 0.0.44.dev20260713+nightly
codegen_flags: <defaults>
</compile_context>

<pallas_src>
import jax
import jax.numpy as jnp
from jax import lax
from jax.experimental import pallas as pl
from jax.experimental.pallas import tpu as pltpu
from jax.experimental.pallas import tpu_sc as plsc

NC = 2
NS = 16
NW = NC * NS
D = 128


def _round_up(v, m):
    return (v + m - 1) // m * m


def _sc_degree(dstp, n):
    nck = dstp.shape[1]
    ck = dstp.shape[2]
    rpt = _round_up(-(-n // NS), 8)
    np_ = rpt * NS
    win = 4
    mesh = plsc.VectorSubcoreMesh(core_axis_name="c", subcore_axis_name="s")

    def body(dstp_h, zeros_h, ones_h, out_h, idx_v, ones_v, acc_sh, sem):
        c = lax.axis_index("c")
        s = lax.axis_index("s")
        wid = s * NC + c

        base_r = s * rpt
        pltpu.sync_copy(zeros_h, acc_sh.at[pl.ds(base_r, rpt)])
        pltpu.sync_copy(ones_h, ones_v)
        pltpu.sync_copy(dstp_h.at[wid], idx_v)
        plsc.subcore_barrier()

        def swait():
            pltpu.make_async_copy(ones_v, acc_sh.at[pl.ds(0, ck)], sem).wait()

        def step(i, _):
            pltpu.async_copy(ones_v, acc_sh.at[idx_v.at[i]], sem, add=True)

            @pl.when(i >= win)
            def _():
                swait()
            return 0
        lax.fori_loop(0, nck, step, 0)
        for _ in range(min(win, nck)):
            swait()
        plsc.subcore_barrier()
        pltpu.sync_copy(acc_sh.at[pl.ds(base_r, rpt)],
                        out_h.at[pl.ds(c * np_ + base_r, rpt)])

    return pl.kernel(
        body,
        out_type=jax.ShapeDtypeStruct((NC * np_, D), jnp.float32),
        mesh=mesh,
        scratch_types=[
            pltpu.VMEM((nck, ck), jnp.int32),
            pltpu.VMEM((ck, D), jnp.float32),
            pltpu.VMEM_SHARED((np_, D), jnp.float32),
            pltpu.SemaphoreType.DMA,
        ],
    )(dstp, jnp.zeros((rpt, D), jnp.float32),
      jnp.ones((ck, D), jnp.float32)), np_


def _sc_scatter(table, srcp, dstp):
    n = table.shape[0]
    nck = srcp.shape[1]
    ck = srcp.shape[2]
    rpt = _round_up(-(-n // NS), 8)
    np_ = rpt * NS
    PH = 2
    L = -(-nck // PH)
    mesh = plsc.VectorSubcoreMesh(core_axis_name="c", subcore_axis_name="s")

    def body(table_h, src_h, dst_h, zeros_h, out_h, idx_s, idx_d,
             rows_a, rows_b, acc_sh, gsem_a, gsem_b):
        c = lax.axis_index("c")
        s = lax.axis_index("s")
        wid = s * NC + c

        base_r = s * rpt
        pltpu.sync_copy(zeros_h, acc_sh.at[pl.ds(base_r, rpt)])

        def gather(i, buf, sem):
            pltpu.async_copy(table_h.at[idx_s.at[i]], buf, sem)

        def gwait(buf, sem):
            pltpu.make_async_copy(table_h.at[pl.ds(0, ck)], buf, sem).wait()

        for p in range(PH):
            cbase = p * L
            lp = min(L, nck - cbase)
            if lp <= 0:
                continue
            pltpu.sync_copy(src_h.at[wid, pl.ds(cbase, lp)],
                            idx_s.at[pl.ds(0, lp)])
            pltpu.sync_copy(dst_h.at[wid, pl.ds(cbase, lp)],
                            idx_d.at[pl.ds(0, lp)])

            gather(0, rows_a, gsem_a)
            if lp > 1:
                gather(1, rows_b, gsem_b)
            if p == 0:
                plsc.subcore_barrier()

            def pair(k, _):
                i = 2 * k
                gwait(rows_a, gsem_a)
                pltpu.sync_copy(rows_a, acc_sh.at[idx_d.at[i]], add=True)

                @pl.when(i + 2 < lp)
                def _():
                    gather(i + 2, rows_a, gsem_a)
                gwait(rows_b, gsem_b)
                pltpu.sync_copy(rows_b, acc_sh.at[idx_d.at[i + 1]], add=True)

                @pl.when(i + 3 < lp)
                def _():
                    gather(i + 3, rows_b, gsem_b)
                return 0
            lax.fori_loop(0, lp // 2, pair, 0)
            if lp % 2:
                gwait(rows_a, gsem_a)
                pltpu.sync_copy(rows_a, acc_sh.at[idx_d.at[lp - 1]], add=True)

        plsc.subcore_barrier()
        pltpu.sync_copy(acc_sh.at[pl.ds(base_r, rpt)],
                        out_h.at[pl.ds(c * np_ + base_r, rpt)])

    return pl.kernel(
        body,
        out_type=jax.ShapeDtypeStruct((NC * np_, D), jnp.float32),
        mesh=mesh,
        scratch_types=[
            pltpu.VMEM((L, ck), jnp.int32),
            pltpu.VMEM((L, ck), jnp.int32),
            pltpu.VMEM((ck, D), jnp.float32),
            pltpu.VMEM((ck, D), jnp.float32),
            pltpu.VMEM_SHARED((np_, D), jnp.float32),
            pltpu.SemaphoreType.DMA,
            pltpu.SemaphoreType.DMA,
        ],
    )(table, srcp, dstp, jnp.zeros((rpt, D), jnp.float32)), np_


def _tc_stage1(xp, w1, degp):
    np_ = xp.shape[0]
    bn = np_ // 16

    def body(x_r, w_r, d0_r, d1_r, h_r, hh_r, dinv_r):
        deg = d0_r[...] + d1_r[...] + 1.0
        dinv = lax.rsqrt(deg)
        h = jnp.dot(x_r[...], w_r[...], preferred_element_type=jnp.float32)
        h_r[...] = h
        hh_r[...] = h * dinv
        dinv_r[...] = dinv

    return pl.pallas_call(
        body,
        grid=(16,),
        in_specs=[
            pl.BlockSpec((bn, D), lambda i: (i, 0)),
            pl.BlockSpec((D, D), lambda i: (0, 0)),
            pl.BlockSpec((bn, D), lambda i: (i, 0)),
            pl.BlockSpec((bn, D), lambda i: (i + 16, 0)),
        ],
        out_specs=[
            pl.BlockSpec((bn, D), lambda i: (i, 0)),
            pl.BlockSpec((bn, D), lambda i: (i, 0)),
            pl.BlockSpec((bn, D), lambda i: (i, 0)),
        ],
        out_shape=[
            jax.ShapeDtypeStruct((np_, D), jnp.float32),
            jax.ShapeDtypeStruct((np_, D), jnp.float32),
            jax.ShapeDtypeStruct((np_, D), jnp.float32),
        ],
    )(xp, w1, degp, degp)


def _tc_stage2(aggp, h1, dinv, w2, b1):
    np_ = h1.shape[0]
    bn = np_ // 16

    def body(a0_r, a1_r, h1_r, dinv_r, w_r, b_r, h2_r, hh2_r):
        dinv = dinv_r[...]
        t = (a0_r[...] + a1_r[...]) * dinv + h1_r[...] * (dinv * dinv) + b_r[...]
        t = jnp.maximum(t, 0.0)
        h2 = jnp.dot(t, w_r[...], preferred_element_type=jnp.float32)
        h2_r[...] = h2
        hh2_r[...] = h2 * dinv

    return pl.pallas_call(
        body,
        grid=(16,),
        in_specs=[
            pl.BlockSpec((bn, D), lambda i: (i, 0)),
            pl.BlockSpec((bn, D), lambda i: (i + 16, 0)),
            pl.BlockSpec((bn, D), lambda i: (i, 0)),
            pl.BlockSpec((bn, D), lambda i: (i, 0)),
            pl.BlockSpec((D, D), lambda i: (0, 0)),
            pl.BlockSpec((1, D), lambda i: (0, 0)),
        ],
        out_specs=[
            pl.BlockSpec((bn, D), lambda i: (i, 0)),
            pl.BlockSpec((bn, D), lambda i: (i, 0)),
        ],
        out_shape=[
            jax.ShapeDtypeStruct((np_, D), jnp.float32),
            jax.ShapeDtypeStruct((np_, D), jnp.float32),
        ],
    )(aggp, aggp, h1, dinv, w2, b1.reshape(1, D))


def _tc_stage3(aggp, h2, dinv, b2):
    np_ = h2.shape[0]
    bn = np_ // 16

    def body(a0_r, a1_r, h2_r, dinv_r, b_r, o_r):
        dinv = dinv_r[...]
        o_r[...] = ((a0_r[...] + a1_r[...]) * dinv
                    + h2_r[...] * (dinv * dinv) + b_r[...])

    return pl.pallas_call(
        body,
        grid=(16,),
        in_specs=[
            pl.BlockSpec((bn, D), lambda i: (i, 0)),
            pl.BlockSpec((bn, D), lambda i: (i + 16, 0)),
            pl.BlockSpec((bn, D), lambda i: (i, 0)),
            pl.BlockSpec((bn, D), lambda i: (i, 0)),
            pl.BlockSpec((1, D), lambda i: (0, 0)),
        ],
        out_specs=pl.BlockSpec((bn, D), lambda i: (i, 0)),
        out_shape=jax.ShapeDtypeStruct((np_, D), jnp.float32),
    )(aggp, aggp, h2, dinv, b2.reshape(1, D))


def kernel(x, edge_index, W1, b1, W2, b2):
    n = x.shape[0]
    e = edge_index.shape[1]
    per_w = e // NW
    ck = 128
    nck = -(-per_w // ck)
    pad = nck * ck - per_w
    srcp = jnp.pad(edge_index[0].reshape(NW, per_w),
                   ((0, 0), (0, pad))).reshape(NW, nck, ck)
    dstp = jnp.pad(edge_index[1].reshape(NW, per_w), ((0, 0), (0, pad)),
                   constant_values=n).reshape(NW, nck, ck)
    np_ = _round_up(-(-n // NS), 8) * NS
    xp = jnp.pad(x, ((0, np_ - n), (0, 0)))

    degp, _ = _sc_degree(dstp, n)
    h1, hh1, dinv = _tc_stage1(xp, W1, degp)
    agg1, _ = _sc_scatter(hh1, srcp, dstp)
    h2, hh2 = _tc_stage2(agg1, h1, dinv, W2, b1)
    agg2, _ = _sc_scatter(hh2, srcp, dstp)
    return _tc_stage3(agg2, h2, dinv, b2)[:n]

# --- scband reference (transcript-rebuilt; emitter-appended) ---
"""Pipeline reference for scband-node-gcn2-3659312136456 (READ-ONLY COPY).

The authoritative reference and input builder live on the scoring server;
editing this copy changes nothing except your own understanding.
"""

import jax, jax.numpy as jnp
import numpy as np

N = 10000
E = 320000
D_IN = 128
D_HID = 128
D_OUT = 128


def setup_inputs(seed: int = 0) -> dict:
    key = jax.random.key(seed)
    k1, k2, k3, k4, k5, k6 = jax.random.split(key, 6)
    x = jax.random.normal(k1, (N, D_IN), dtype=jnp.float32)
    edge_index = jax.random.randint(k2, (2, E), 0, N).astype(jnp.int32)
    W1 = jax.random.normal(k3, (D_IN, D_HID), dtype=jnp.float32) * (1.0 / np.sqrt(D_IN))
    b1 = jnp.zeros((D_HID,), dtype=jnp.float32)
    W2 = jax.random.normal(k4, (D_HID, D_OUT), dtype=jnp.float32) * (1.0 / np.sqrt(D_HID))
    b2 = jnp.zeros((D_OUT,), dtype=jnp.float32)
    return {"x": x, "edge_index": edge_index, "W1": W1, "b1": b1, "W2": W2, "b2": b2}


def _gcn_conv(x, edge_index, W, b):
    # PyG GCNConv: add self-loops, symmetric normalization D^-1/2 (A+I) D^-1/2, then linear.
    n = x.shape[0]
    loop = jnp.arange(n, dtype=edge_index.dtype)
    src = jnp.concatenate([edge_index[0], loop])
    dst = jnp.concatenate([edge_index[1], loop])
    deg = jnp.zeros((n,), dtype=x.dtype).at[dst].add(1.0)
    dinv = jnp.where(deg > 0, 1.0 / jnp.sqrt(deg), 0.0)
    norm = dinv[src] * dinv[dst]
    h = x @ W
    msg = h[src] * norm[:, None]
    out = jnp.zeros((n, h.shape[1]), dtype=h.dtype).at[dst].add(msg)
    return out + b


def reference(x, edge_index, W1, b1, W2, b2):
    h = _gcn_conv(x, edge_index, W1, b1)
    h = jax.nn.relu(h)
    # dropout is identity in eval mode (training=False)
    out = _gcn_conv(h, edge_index, W2, b2)
    return out

if __name__ == "__main__":
    import jax
    _d = setup_inputs()
    print(jax.jit(kernel)(*tuple(_d.values())))

</pallas_src>

<mosaic_0001>
#map = affine_map<(d0, d1) -> (0, 0)>
#map1 = affine_map<(d0, d1) -> (0, 0, 0)>
module attributes {stable_mosaic.version = 14 : i64} {
  func.func @body(%arg0: i32, %arg1: i32, %arg2: memref<10112x128xf32, #tpu.memory_space<hbm>>, %arg3: memref<32x79x128xi32, #tpu.memory_space<hbm>>, %arg4: memref<32x79x128xi32, #tpu.memory_space<hbm>>, %arg5: memref<632x128xf32, #tpu.memory_space<hbm>>, %arg6: memref<20224x128xf32, #tpu.memory_space<hbm>>, %arg7: memref<40x128xi32, #tpu.memory_space<vmem>>, %arg8: memref<40x128xi32, #tpu.memory_space<vmem>>, %arg9: memref<128x128xf32, #tpu.memory_space<vmem>>, %arg10: memref<128x128xf32, #tpu.memory_space<vmem>>, %arg11: memref<10112x128xf32, #tpu.memory_space<vmem_shared>>, %arg12: memref<!tpu.dma_semaphore, #tpu.memory_space<semaphore_mem>>, %arg13: memref<!tpu.dma_semaphore, #tpu.memory_space<semaphore_mem>>) attributes {dimension_semantics = [#tpu.dimension_semantics<core_parallel>, #tpu.dimension_semantics<subcore_parallel>], iteration_bounds = array<i64: 2, 16>, scalar_prefetch = 0 : i64, scratch_operands = 7 : i64, tpu.core_type = #tpu.core_type<sc_vector_subcore>, window_params = [{transform_indices = #map}, {transform_indices = #map1}, {transform_indices = #map1}, {transform_indices = #map}, {transform_indices = #map}]} {
    %mul3A = arith.constant 2 : i32
    %mul3A_0 = arith.muli %arg1, %mul3A : i32
    %add3A = arith.addi %mul3A_0, %arg0 : i32
    %mul3A_1 = arith.constant 632 : i32
    %mul3A_2 = arith.muli %arg1, %mul3A_1 : i32
    "tpu.region"() ({
      %run_scoped3A_52 = tpu.sem_alloc : memref<!tpu.dma_semaphore, #tpu.memory_space<semaphore_mem>>
      %dma_start3A_53 = arith.constant 0 : i32
      %dma_start3A_54 = tpu.memref_slice %arg11[%mul3A_2, %dma_start3A_53] : memref<10112x128xf32, #tpu.memory_space<vmem_shared>> -> memref<632x128xf32, #tpu.memory_space<vmem_shared>>
      tpu.enqueue_dma source(%arg5 : memref<632x128xf32, #tpu.memory_space<hbm>>) target(%dma_start3A_54 : memref<632x128xf32, #tpu.memory_space<vmem_shared>>) target_semaphore(%run_scoped3A_52 : memref<!tpu.dma_semaphore, #tpu.memory_space<semaphore_mem>>)
      %dma_wait3A_55 = arith.constant 0 : i32
      %dma_wait3A_56 = tpu.memref_slice %arg11[%mul3A_2, %dma_wait3A_55] : memref<10112x128xf32, #tpu.memory_space<vmem_shared>> -> memref<632x128xf32, #tpu.memory_space<vmem_shared>>
      tpu.wait_dma2 semaphore(%run_scoped3A_52 : memref<!tpu.dma_semaphore, #tpu.memory_space<semaphore_mem>>) src(%arg5 : memref<632x128xf32, #tpu.memory_space<hbm>>) dst(%dma_wait3A_56 : memref<632x128xf32, #tpu.memory_space<vmem_shared>>)
      tpu.yield
    }) : () -> ()
    "tpu.region"() ({
      %run_scoped3A_52 = tpu.sem_alloc : memref<!tpu.dma_semaphore, #tpu.memory_space<semaphore_mem>>
      %dma_start3A_53 = arith.constant 0 : i32
      %dma_start3A_54 = arith.constant 0 : i32
      %dma_start3A_55 = tpu.memref_slice %arg7[%dma_start3A_53, %dma_start3A_54] : memref<40x128xi32, #tpu.memory_space<vmem>> -> memref<40x128xi32, #tpu.memory_space<vmem>>
      %dma_start3A_56 = arith.constant 0 : i32
      %dma_start3A_57 = arith.constant 0 : i32
      %dma_start3A_58 = tpu.memref_slice %arg3[%add3A, %dma_start3A_56, %dma_start3A_57] : memref<32x79x128xi32, #tpu.memory_space<hbm>> -> memref<1x40x128xi32, #tpu.memory_space<hbm>>
      %dma_start3A_59 = tpu.memref_squeeze %dma_start3A_58 : memref<1x40x128xi32, #tpu.memory_space<hbm>> -> memref<40x128xi32, #tpu.memory_space<hbm>>
      %dma_start3A_60 = arith.constant 0 : i32
      %dma_start3A_61 = arith.constant 0 : i32
      %dma_start3A_62 = tpu.memref_slice %arg7[%dma_start3A_60, %dma_start3A_61] : memref<40x128xi32, #tpu.memory_space<vmem>> -> memref<40x128xi32, #tpu.memory_space<vmem>>
      %dma_start3A_63 = arith.constant 0 : i32
      %dma_start3A_64 = arith.constant 0 : i32
      %dma_start3A_65 = tpu.memref_slice %arg3[%add3A, %dma_start3A_63, %dma_start3A_64] : memref<32x79x128xi32, #tpu.memory_space<hbm>> -> memref<1x40x128xi32, #tpu.memory_space<hbm>>
      %dma_start3A_66 = tpu.memref_squeeze %dma_start3A_65 : memref<1x40x128xi32, #tpu.memory_space<hbm>> -> memref<40x128xi32, #tpu.memory_space<hbm>>
      tpu.enqueue_dma source(%dma_start3A_66 : memref<40x128xi32, #tpu.memory_space<hbm>>) target(%dma_start3A_62 : memref<40x128xi32, #tpu.memory_space<vmem>>) target_semaphore(%run_scoped3A_52 : memref<!tpu.dma_semaphore, #tpu.memory_space<semaphore_mem>>)
      %dma_wait3A_67 = arith.constant 0 : i32
      %dma_wait3A_68 = arith.constant 0 : i32
      %dma_wait3A_69 = tpu.memref_slice %arg7[%dma_wait3A_67, %dma_wait3A_68] : memref<40x128xi32, #tpu.memory_space<vmem>> -> memref<40x128xi32, #tpu.memory_space<vmem>>
      %dma_wait3A_70 = arith.constant 0 : i32
      %dma_wait3A_71 = arith.constant 0 : i32
      %dma_wait3A_72 = tpu.memref_slice %arg3[%add3A, %dma_wait3A_70, %dma_wait3A_71] : memref<32x79x128xi32, #tpu.memory_space<hbm>> -> memref<1x40x128xi32, #tpu.memory_space<hbm>>
      %dma_wait3A_73 = tpu.memref_squeeze %dma_wait3A_72 : memref<1x40x128xi32, #tpu.memory_space<hbm>> -> memref<40x128xi32, #tpu.memory_space<hbm>>
      %dma_wait3A_74 = arith.constant 0 : i32
      %dma_wait3A_75 = arith.constant 0 : i32
      %dma_wait3A_76 = tpu.memref_slice %arg7[%dma_wait3A_74, %dma_wait3A_75] : memref<40x128xi32, #tpu.memory_space<vmem>> -> memref<40x128xi32, #tpu.memory_space<vmem>>
      %dma_wait3A_77 = arith.constant 0 : i32
      %dma_wait3A_78 = arith.constant 0 : i32
      %dma_wait3A_79 = tpu.memref_slice %arg3[%add3A, %dma_wait3A_77, %dma_wait3A_78] : memref<32x79x128xi32, #tpu.memory_space<hbm>> -> memref<1x40x128xi32, #tpu.memory_space<hbm>>
      %dma_wait3A_80 = tpu.memref_squeeze %dma_wait3A_79 : memref<1x40x128xi32, #tpu.memory_space<hbm>> -> memref<40x128xi32, #tpu.memory_space<hbm>>
      tpu.wait_dma2 semaphore(%run_scoped3A_52 : memref<!tpu.dma_semaphore, #tpu.memory_space<semaphore_mem>>) src(%dma_wait3A_80 : memref<40x128xi32, #tpu.memory_space<hbm>>) dst(%dma_wait3A_76 : memref<40x128xi32, #tpu.memory_space<vmem>>)
      tpu.yield
    }) : () -> ()
    "tpu.region"() ({
      %run_scoped3A_52 = tpu.sem_alloc : memref<!tpu.dma_semaphore, #tpu.memory_space<semaphore_mem>>
      %dma_start3A_53 = arith.constant 0 : i32
      %dma_start3A_54 = arith.constant 0 : i32
      %dma_start3A_55 = tpu.memref_slice %arg8[%dma_start3A_53, %dma_start3A_54] : memref<40x128xi32, #tpu.memory_space<vmem>> -> memref<40x128xi32, #tpu.memory_space<vmem>>
      %dma_start3A_56 = arith.constant 0 : i32
      %dma_start3A_57 = arith.constant 0 : i32
      %dma_start3A_58 = tpu.memref_slice %arg4[%add3A, %dma_start3A_56, %dma_start3A_57] : memref<32x79x128xi32, #tpu.memory_space<hbm>> -> memref<1x40x128xi32, #tpu.memory_space<hbm>>
      %dma_start3A_59 = tpu.memref_squeeze %dma_start3A_58 : memref<1x40x128xi32, #tpu.memory_space<hbm>> -> memref<40x128xi32, #tpu.memory_space<hbm>>
      %dma_start3A_60 = arith.constant 0 : i32
      %dma_start3A_61 = arith.constant 0 : i32
      %dma_start3A_62 = tpu.memref_slice %arg8[%dma_start3A_60, %dma_start3A_61] : memref<40x128xi32, #tpu.memory_space<vmem>> -> memref<40x128xi32, #tpu.memory_space<vmem>>
      %dma_start3A_63 = arith.constant 0 : i32
      %dma_start3A_64 = arith.constant 0 : i32
      %dma_start3A_65 = tpu.memref_slice %arg4[%add3A, %dma_start3A_63, %dma_start3A_64] : memref<32x79x128xi32, #tpu.memory_space<hbm>> -> memref<1x40x128xi32, #tpu.memory_space<hbm>>
      %dma_start3A_66 = tpu.memref_squeeze %dma_start3A_65 : memref<1x40x128xi32, #tpu.memory_space<hbm>> -> memref<40x128xi32, #tpu.memory_space<hbm>>
      tpu.enqueue_dma source(%dma_start3A_66 : memref<40x128xi32, #tpu.memory_space<hbm>>) target(%dma_start3A_62 : memref<40x128xi32, #tpu.memory_space<vmem>>) target_semaphore(%run_scoped3A_52 : memref<!tpu.dma_semaphore, #tpu.memory_space<semaphore_mem>>)
      %dma_wait3A_67 = arith.constant 0 : i32
      %dma_wait3A_68 = arith.constant 0 : i32
      %dma_wait3A_69 = tpu.memref_slice %arg8[%dma_wait3A_67, %dma_wait3A_68] : memref<40x128xi32, #tpu.memory_space<vmem>> -> memref<40x128xi32, #tpu.memory_space<vmem>>
      %dma_wait3A_70 = arith.constant 0 : i32
      %dma_wait3A_71 = arith.constant 0 : i32
      %dma_wait3A_72 = tpu.memref_slice %arg4[%add3A, %dma_wait3A_70, %dma_wait3A_71] : memref<32x79x128xi32, #tpu.memory_space<hbm>> -> memref<1x40x128xi32, #tpu.memory_space<hbm>>
      %dma_wait3A_73 = tpu.memref_squeeze %dma_wait3A_72 : memref<1x40x128xi32, #tpu.memory_space<hbm>> -> memref<40x128xi32, #tpu.memory_space<hbm>>
      %dma_wait3A_74 = arith.constant 0 : i32
      %dma_wait3A_75 = arith.constant 0 : i32
      %dma_wait3A_76 = tpu.memref_slice %arg8[%dma_wait3A_74, %dma_wait3A_75] : memref<40x128xi32, #tpu.memory_space<vmem>> -> memref<40x128xi32, #tpu.memory_space<vmem>>
      %dma_wait3A_77 = arith.constant 0 : i32
      %dma_wait3A_78 = arith.constant 0 : i32
      %dma_wait3A_79 = tpu.memref_slice %arg4[%add3A, %dma_wait3A_77, %dma_wait3A_78] : memref<32x79x128xi32, #tpu.memory_space<hbm>> -> memref<1x40x128xi32, #tpu.memory_space<hbm>>
      %dma_wait3A_80 = tpu.memref_squeeze %dma_wait3A_79 : memref<1x40x128xi32, #tpu.memory_space<hbm>> -> memref<40x128xi32, #tpu.memory_space<hbm>>
      tpu.wait_dma2 semaphore(%run_scoped3A_52 : memref<!tpu.dma_semaphore, #tpu.memory_space<semaphore_mem>>) src(%dma_wait3A_80 : memref<40x128xi32, #tpu.memory_space<hbm>>) dst(%dma_wait3A_76 : memref<40x128xi32, #tpu.memory_space<vmem>>)
      tpu.yield
    }) : () -> ()
    %dma_start3A = arith.constant 0 : i32
    %dma_start3A_3 = arith.constant 0 : i32
    %dma_start3A_4 = tpu.memref_slice %arg7[%dma_start3A, %dma_start3A_3] : memref<40x128xi32, #tpu.memory_space<vmem>> -> memref<1x128xi32, #tpu.memory_space<vmem>>
    %dma_start3A_5 = tpu.memref_squeeze %dma_start3A_4 : memref<1x128xi32, #tpu.memory_space<vmem>> -> memref<128xi32, #tpu.memory_space<vmem>>
    %dma_start3A_6 = arith.constant 0 : i32
    %dma_start3A_7 = arith.constant 0 : i32
    %dma_start3A_8 = tpu.memref_slice %arg2[%dma_start3A_6, %dma_start3A_7] : memref<10112x128xf32, #tpu.memory_space<hbm>> -> memref<10112x128xf32, #tpu.memory_space<hbm>>
    tpu.enqueue_indirect_dma source(%dma_start3A_8 : memref<10112x128xf32, #tpu.memory_space<hbm>>) target(%arg9 : memref<128x128xf32, #tpu.memory_space<vmem>>) offsets(%dma_start3A_5 : memref<128xi32, #tpu.memory_space<vmem>>) semaphore(%arg12 : memref<!tpu.dma_semaphore, #tpu.memory_space<semaphore_mem>>)
    %dma_start3A_9 = arith.constant 1 : i32
    %dma_start3A_10 = arith.constant 0 : i32
    %dma_start3A_11 = tpu.memref_slice %arg7[%dma_start3A_9, %dma_start3A_10] : memref<40x128xi32, #tpu.memory_space<vmem>> -> memref<1x128xi32, #tpu.memory_space<vmem>>
    %dma_start3A_12 = tpu.memref_squeeze %dma_start3A_11 : memref<1x128xi32, #tpu.memory_space<vmem>> -> memref<128xi32, #tpu.memory_space<vmem>>
    %dma_start3A_13 = arith.constant 0 : i32
    %dma_start3A_14 = arith.constant 0 : i32
    %dma_start3A_15 = tpu.memref_slice %arg2[%dma_start3A_13, %dma_start3A_14] : memref<10112x128xf32, #tpu.memory_space<hbm>> -> memref<10112x128xf32, #tpu.memory_space<hbm>>
    tpu.enqueue_indirect_dma source(%dma_start3A_15 : memref<10112x128xf32, #tpu.memory_space<hbm>>) target(%arg10 : memref<128x128xf32, #tpu.memory_space<vmem>>) offsets(%dma_start3A_12 : memref<128xi32, #tpu.memory_space<vmem>>) semaphore(%arg13 : memref<!tpu.dma_semaphore, #tpu.memory_space<semaphore_mem>>)
    %barrier3A = arith.constant 0 : index
    tpu.barrier barrier_id(%barrier3A)
    %scan3A = arith.constant 0 : i32
    %scan3A_16 = arith.constant 0 : i32
    %scan3A_17 = arith.constant 20 : i32
    %scan3A_18 = arith.addi %scan3A_16, %scan3A_17 : i32
    %scan3A_19 = arith.constant 1 : i32
    %scan3A_20 = scf.for %scan3A_52 = %scan3A_16 to %scan3A_18 step %scan3A_19 iter_args(%scan3A_53 = %scan3A) -> (i32)  : i32 {
      %mul3A_54 = arith.constant 2 : i32
      %mul3A_55 = arith.muli %mul3A_54, %scan3A_52 : i32
      %dma_wait3A_56 = arith.constant 0 : i32
      %dma_wait3A_57 = arith.constant 0 : i32
      %dma_wait3A_58 = tpu.memref_slice %arg2[%dma_wait3A_56, %dma_wait3A_57] : memref<10112x128xf32, #tpu.memory_space<hbm>> -> memref<128x128xf32, #tpu.memory_space<hbm>>
      %dma_wait3A_59 = arith.constant 0 : i32
      %dma_wait3A_60 = arith.constant 0 : i32
      %dma_wait3A_61 = tpu.memref_slice %arg2[%dma_wait3A_59, %dma_wait3A_60] : memref<10112x128xf32, #tpu.memory_space<hbm>> -> memref<128x128xf32, #tpu.memory_space<hbm>>
      tpu.wait_dma2 semaphore(%arg12 : memref<!tpu.dma_semaphore, #tpu.memory_space<semaphore_mem>>) src(%dma_wait3A_61 : memref<128x128xf32, #tpu.memory_space<hbm>>) dst(%arg9 : memref<128x128xf32, #tpu.memory_space<vmem>>)
      "tpu.region"() ({
        %run_scoped3A_82 = tpu.sem_alloc : memref<!tpu.dma_semaphore, #tpu.memory_space<semaphore_mem>>
        %dma_start3A_83 = arith.constant 0 : i32
        %dma_start3A_84 = tpu.memref_slice %arg8[%mul3A_55, %dma_start3A_83] : memref<40x128xi32, #tpu.memory_space<vmem>> -> memref<1x128xi32, #tpu.memory_space<vmem>>
        %dma_start3A_85 = tpu.memref_squeeze %dma_start3A_84 : memref<1x128xi32, #tpu.memory_space<vmem>> -> memref<128xi32, #tpu.memory_space<vmem>>
        %dma_start3A_86 = arith.constant 0 : i32
        %dma_start3A_87 = arith.constant 0 : i32
        %dma_start3A_88 = tpu.memref_slice %arg11[%dma_start3A_86, %dma_start3A_87] : memref<10112x128xf32, #tpu.memory_space<vmem_shared>> -> memref<10112x128xf32, #tpu.memory_space<vmem_shared>>
        tpu.enqueue_indirect_dma source(%arg9 : memref<128x128xf32, #tpu.memory_space<vmem>>) target(%dma_start3A_88 : memref<10112x128xf32, #tpu.memory_space<vmem_shared>>) offsets(%dma_start3A_85 : memref<128xi32, #tpu.memory_space<vmem>>) semaphore(%run_scoped3A_82 : memref<!tpu.dma_semaphore, #tpu.memory_space<semaphore_mem>>) {add = true}
        %dma_wait3A_89 = arith.constant 0 : i32
        %dma_wait3A_90 = tpu.memref_slice %arg8[%mul3A_55, %dma_wait3A_89] : memref<40x128xi32, #tpu.memory_space<vmem>> -> memref<1x128xi32, #tpu.memory_space<vmem>>
        %dma_wait3A_91 = tpu.memref_squeeze %dma_wait3A_90 : memref<1x128xi32, #tpu.memory_space<vmem>> -> memref<128xi32, #tpu.memory_space<vmem>>
        %dma_wait3A_92 = arith.constant 0 : i32
        %dma_wait3A_93 = arith.constant 0 : i32
        %dma_wait3A_94 = tpu.memref_slice %arg11[%dma_wait3A_92, %dma_wait3A_93] : memref<10112x128xf32, #tpu.memory_space<vmem_shared>> -> memref<10112x128xf32, #tpu.memory_space<vmem_shared>>
        tpu.wait_indirect_dma semaphore(%run_scoped3A_82 : memref<!tpu.dma_semaphore, #tpu.memory_space<semaphore_mem>>) src(%arg9 : memref<128x128xf32, #tpu.memory_space<vmem>>) dst(%dma_wait3A_94 : memref<10112x128xf32, #tpu.memory_space<vmem_shared>>)
        tpu.yield
      }) : () -> ()
      %add3A_62 = arith.constant 2 : i32
      %add3A_63 = arith.addi %mul3A_55, %add3A_62 : i32
      %lt3A = arith.constant 40 : i32
      %lt3A_64 = arith.cmpi slt, %add3A_63, %lt3A : i32
      %convert_element_type3A = arith.extui %lt3A_64 : i1 to i32
      %cond3A = arith.constant 0 : i32
      %cond3A_65 = arith.cmpi ne, %convert_element_type3A, %cond3A : i32
      scf.if %cond3A_65 {
        %add3A_82 = arith.constant 2 : i32
        %add3A_83 = arith.addi %mul3A_55, %add3A_82 : i32
        %dma_start3A_84 = arith.constant 0 : i32
        %dma_start3A_85 = tpu.memref_slice %arg7[%add3A_83, %dma_start3A_84] : memref<40x128xi32, #tpu.memory_space<vmem>> -> memref<1x128xi32, #tpu.memory_space<vmem>>
        %dma_start3A_86 = tpu.memref_squeeze %dma_start3A_85 : memref<1x128xi32, #tpu.memory_space<vmem>> -> memref<128xi32, #tpu.memory_space<vmem>>
        %dma_start3A_87 = arith.constant 0 : i32
        %dma_start3A_88 = arith.constant 0 : i32
        %dma_start3A_89 = tpu.memref_slice %arg2[%dma_start3A_87, %dma_start3A_88] : memref<10112x128xf32, #tpu.memory_space<hbm>> -> memref<10112x128xf32, #tpu.memory_space<hbm>>
        tpu.enqueue_indirect_dma source(%dma_start3A_89 : memref<10112x128xf32, #tpu.memory_space<hbm>>) target(%arg9 : memref<128x128xf32, #tpu.memory_space<vmem>>) offsets(%dma_start3A_86 : memref<128xi32, #tpu.memory_space<vmem>>) semaphore(%arg12 : memref<!tpu.dma_semaphore, #tpu.memory_space<semaphore_mem>>)
      } else {
      }
      %dma_wait3A_66 = arith.constant 0 : i32
      %dma_wait3A_67 = arith.constant 0 : i32
      %dma_wait3A_68 = tpu.memref_slice %arg2[%dma_wait3A_66, %dma_wait3A_67] : memref<10112x128xf32, #tpu.memory_space<hbm>> -> memref<128x128xf32, #tpu.memory_space<hbm>>
      %dma_wait3A_69 = arith.constant 0 : i32
      %dma_wait3A_70 = arith.constant 0 : i32
      %dma_wait3A_71 = tpu.memref_slice %arg2[%dma_wait3A_69, %dma_wait3A_70] : memref<10112x128xf32, #tpu.memory_space<hbm>> -> memref<128x128xf32, #tpu.memory_space<hbm>>
      tpu.wait_dma2 semaphore(%arg13 : memref<!tpu.dma_semaphore, #tpu.memory_space<semaphore_mem>>) src(%dma_wait3A_71 : memref<128x128xf32, #tpu.memory_space<hbm>>) dst(%arg10 : memref<128x128xf32, #tpu.memory_space<vmem>>)
      %add3A_72 = arith.constant 1 : i32
      %add3A_73 = arith.addi %mul3A_55, %add3A_72 : i32
      "tpu.region"() ({
        %run_scoped3A_82 = tpu.sem_alloc : memref<!tpu.dma_semaphore, #tpu.memory_space<semaphore_mem>>
        %dma_start3A_83 = arith.constant 0 : i32
        %dma_start3A_84 = tpu.memref_slice %arg8[%add3A_73, %dma_start3A_83] : memref<40x128xi32, #tpu.memory_space<vmem>> -> memref<1x128xi32, #tpu.memory_space<vmem>>
        %dma_start3A_85 = tpu.memref_squeeze %dma_start3A_84 : memref<1x128xi32, #tpu.memory_space<vmem>> -> memref<128xi32, #tpu.memory_space<vmem>>
        %dma_start3A_86 = arith.constant 0 : i32
        %dma_start3A_87 = arith.constant 0 : i32
        %dma_start3A_88 = tpu.memref_slice %arg11[%dma_start3A_86, %dma_start3A_87] : memref<10112x128xf32, #tpu.memory_space<vmem_shared>> -> memref<10112x128xf32, #tpu.memory_space<vmem_shared>>
        tpu.enqueue_indirect_dma source(%arg10 : memref<128x128xf32, #tpu.memory_space<vmem>>) target(%dma_start3A_88 : memref<10112x128xf32, #tpu.memory_space<vmem_shared>>) offsets(%dma_start3A_85 : memref<128xi32, #tpu.memory_space<vmem>>) semaphore(%run_scoped3A_82 : memref<!tpu.dma_semaphore, #tpu.memory_space<semaphore_mem>>) {add = true}
        %dma_wait3A_89 = arith.constant 0 : i32
        %dma_wait3A_90 = tpu.memref_slice %arg8[%add3A_73, %dma_wait3A_89] : memref<40x128xi32, #tpu.memory_space<vmem>> -> memref<1x128xi32, #tpu.memory_space<vmem>>
        %dma_wait3A_91 = tpu.memref_squeeze %dma_wait3A_90 : memref<1x128xi32, #tpu.memory_space<vmem>> -> memref<128xi32, #tpu.memory_space<vmem>>
        %dma_wait3A_92 = arith.constant 0 : i32
        %dma_wait3A_93 = arith.constant 0 : i32
        %dma_wait3A_94 = tpu.memref_slice %arg11[%dma_wait3A_92, %dma_wait3A_93] : memref<10112x128xf32, #tpu.memory_space<vmem_shared>> -> memref<10112x128xf32, #tpu.memory_space<vmem_shared>>
        tpu.wait_indirect_dma semaphore(%run_scoped3A_82 : memref<!tpu.dma_semaphore, #tpu.memory_space<semaphore_mem>>) src(%arg10 : memref<128x128xf32, #tpu.memory_space<vmem>>) dst(%dma_wait3A_94 : memref<10112x128xf32, #tpu.memory_space<vmem_shared>>)
        tpu.yield
      }) : () -> ()
      %add3A_74 = arith.constant 3 : i32
      %add3A_75 = arith.addi %mul3A_55, %add3A_74 : i32
      %lt3A_76 = arith.constant 40 : i32
      %lt3A_77 = arith.cmpi slt, %add3A_75, %lt3A_76 : i32
      %convert_element_type3A_78 = arith.extui %lt3A_77 : i1 to i32
      %cond3A_79 = arith.constant 0 : i32
      %cond3A_80 = arith.cmpi ne, %convert_element_type3A_78, %cond3A_79 : i32
      scf.if %cond3A_80 {
        %add3A_82 = arith.constant 3 : i32
        %add3A_83 = arith.addi %mul3A_55, %add3A_82 : i32
        %dma_start3A_84 = arith.constant 0 : i32
        %dma_start3A_85 = tpu.memref_slice %arg7[%add3A_83, %dma_start3A_84] : memref<40x128xi32, #tpu.memory_space<vmem>> -> memref<1x128xi32, #tpu.memory_space<vmem>>
        %dma_start3A_86 = tpu.memref_squeeze %dma_start3A_85 : memref<1x128xi32, #tpu.memory_space<vmem>> -> memref<128xi32, #tpu.memory_space<vmem>>
        %dma_start3A_87 = arith.constant 0 : i32
        %dma_start3A_88 = arith.constant 0 : i32
        %dma_start3A_89 = tpu.memref_slice %arg2[%dma_start3A_87, %dma_start3A_88] : memref<10112x128xf32, #tpu.memory_space<hbm>> -> memref<10112x128xf32, #tpu.memory_space<hbm>>
        tpu.enqueue_indirect_dma source(%dma_start3A_89 : memref<10112x128xf32, #tpu.memory_space<hbm>>) target(%arg10 : memref<128x128xf32, #tpu.memory_space<vmem>>) offsets(%dma_start3A_86 : memref<128xi32, #tpu.memory_space<vmem>>) semaphore(%arg13 : memref<!tpu.dma_semaphore, #tpu.memory_space<semaphore_mem>>)
      } else {
      }
      %scan3A_81 = arith.constant 0 : i32
      scf.yield %scan3A_81 : i32
    }
    %scan3A_21 = arith.constant 20 : i32
    "tpu.region"() ({
      %run_scoped3A_52 = tpu.sem_alloc : memref<!tpu.dma_semaphore, #tpu.memory_space<semaphore_mem>>
      %dma_start3A_53 = arith.constant 0 : i32
      %dma_start3A_54 = arith.constant 0 : i32
      %dma_start3A_55 = tpu.memref_slice %arg7[%dma_start3A_53, %dma_start3A_54] : memref<40x128xi32, #tpu.memory_space<vmem>> -> memref<39x128xi32, #tpu.memory_space<vmem>>
      %dma_start3A_56 = arith.constant 40 : i32
      %dma_start3A_57 = arith.constant 0 : i32
      %dma_start3A_58 = tpu.memref_slice %arg3[%add3A, %dma_start3A_56, %dma_start3A_57] : memref<32x79x128xi32, #tpu.memory_space<hbm>> -> memref<1x39x128xi32, #tpu.memory_space<hbm>>
      %dma_start3A_59 = tpu.memref_squeeze %dma_start3A_58 : memref<1x39x128xi32, #tpu.memory_space<hbm>> -> memref<39x128xi32, #tpu.memory_space<hbm>>
      %dma_start3A_60 = arith.constant 0 : i32
      %dma_start3A_61 = arith.constant 0 : i32
      %dma_start3A_62 = tpu.memref_slice %arg7[%dma_start3A_60, %dma_start3A_61] : memref<40x128xi32, #tpu.memory_space<vmem>> -> memref<39x128xi32, #tpu.memory_space<vmem>>
      %dma_start3A_63 = arith.constant 40 : i32
      %dma_start3A_64 = arith.constant 0 : i32
      %dma_start3A_65 = tpu.memref_slice %arg3[%add3A, %dma_start3A_63, %dma_start3A_64] : memref<32x79x128xi32, #tpu.memory_space<hbm>> -> memref<1x39x128xi32, #tpu.memory_space<hbm>>
      %dma_start3A_66 = tpu.memref_squeeze %dma_start3A_65 : memref<1x39x128xi32, #tpu.memory_space<hbm>> -> memref<39x128xi32, #tpu.memory_space<hbm>>
      tpu.enqueue_dma source(%dma_start3A_66 : memref<39x128xi32, #tpu.memory_space<hbm>>) target(%dma_start3A_62 : memref<39x128xi32, #tpu.memory_space<vmem>>) target_semaphore(%run_scoped3A_52 : memref<!tpu.dma_semaphore, #tpu.memory_space<semaphore_mem>>)
      %dma_wait3A_67 = arith.constant 0 : i32
      %dma_wait3A_68 = arith.constant 0 : i32
      %dma_wait3A_69 = tpu.memref_slice %arg7[%dma_wait3A_67, %dma_wait3A_68] : memref<40x128xi32, #tpu.memory_space<vmem>> -> memref<39x128xi32, #tpu.memory_space<vmem>>
      %dma_wait3A_70 = arith.constant 40 : i32
      %dma_wait3A_71 = arith.constant 0 : i32
      %dma_wait3A_72 = tpu.memref_slice %arg3[%add3A, %dma_wait3A_70, %dma_wait3A_71] : memref<32x79x128xi32, #tpu.memory_space<hbm>> -> memref<1x39x128xi32, #tpu.memory_space<hbm>>
      %dma_wait3A_73 = tpu.memref_squeeze %dma_wait3A_72 : memref<1x39x128xi32, #tpu.memory_space<hbm>> -> memref<39x128xi32, #tpu.memory_space<hbm>>
      %dma_wait3A_74 = arith.constant 0 : i32
      %dma_wait3A_75 = arith.constant 0 : i32
      %dma_wait3A_76 = tpu.memref_slice %arg7[%dma_wait3A_74, %dma_wait3A_75] : memref<40x128xi32, #tpu.memory_space<vmem>> -> memref<39x128xi32, #tpu.memory_space<vmem>>
      %dma_wait3A_77 = arith.constant 40 : i32
      %dma_wait3A_78 = arith.constant 0 : i32
      %dma_wait3A_79 = tpu.memref_slice %arg3[%add3A, %dma_wait3A_77, %dma_wait3A_78] : memref<32x79x128xi32, #tpu.memory_space<hbm>> -> memref<1x39x128xi32, #tpu.memory_space<hbm>>
      %dma_wait3A_80 = tpu.memref_squeeze %dma_wait3A_79 : memref<1x39x128xi32, #tpu.memory_space<hbm>> -> memref<39x128xi32, #tpu.memory_space<hbm>>
      tpu.wait_dma2 semaphore(%run_scoped3A_52 : memref<!tpu.dma_semaphore, #tpu.memory_space<semaphore_mem>>) src(%dma_wait3A_80 : memref<39x128xi32, #tpu.memory_space<hbm>>) dst(%dma_wait3A_76 : memref<39x128xi32, #tpu.memory_space<vmem>>)
      tpu.yield
    }) : () -> ()
    "tpu.region"() ({
      %run_scoped3A_52 = tpu.sem_alloc : memref<!tpu.dma_semaphore, #tpu.memory_space<semaphore_mem>>
      %dma_start3A_53 = arith.constant 0 : i32
      %dma_start3A_54 = arith.constant 0 : i32
      %dma_start3A_55 = tpu.memref_slice %arg8[%dma_start3A_53, %dma_start3A_54] : memref<40x128xi32, #tpu.memory_space<vmem>> -> memref<39x128xi32, #tpu.memory_space<vmem>>
      %dma_start3A_56 = arith.constant 40 : i32
      %dma_start3A_57 = arith.constant 0 : i32
      %dma_start3A_58 = tpu.memref_slice %arg4[%add3A, %dma_start3A_56, %dma_start3A_57] : memref<32x79x128xi32, #tpu.memory_space<hbm>> -> memref<1x39x128xi32, #tpu.memory_space<hbm>>
      %dma_start3A_59 = tpu.memref_squeeze %dma_start3A_58 : memref<1x39x128xi32, #tpu.memory_space<hbm>> -> memref<39x128xi32, #tpu.memory_space<hbm>>
      %dma_start3A_60 = arith.constant 0 : i32
      %dma_start3A_61 = arith.constant 0 : i32
      %dma_start3A_62 = tpu.memref_slice %arg8[%dma_start3A_60, %dma_start3A_61] : memref<40x128xi32, #tpu.memory_space<vmem>> -> memref<39x128xi32, #tpu.memory_space<vmem>>
      %dma_start3A_63 = arith.constant 40 : i32
      %dma_start3A_64 = arith.constant 0 : i32
      %dma_start3A_65 = tpu.memref_slice %arg4[%add3A, %dma_start3A_63, %dma_start3A_64] : memref<32x79x128xi32, #tpu.memory_space<hbm>> -> memref<1x39x128xi32, #tpu.memory_space<hbm>>
      %dma_start3A_66 = tpu.memref_squeeze %dma_start3A_65 : memref<1x39x128xi32, #tpu.memory_space<hbm>> -> memref<39x128xi32, #tpu.memory_space<hbm>>
      tpu.enqueue_dma source(%dma_start3A_66 : memref<39x128xi32, #tpu.memory_space<hbm>>) target(%dma_start3A_62 : memref<39x128xi32, #tpu.memory_space<vmem>>) target_semaphore(%run_scoped3A_52 : memref<!tpu.dma_semaphore, #tpu.memory_space<semaphore_mem>>)
      %dma_wait3A_67 = arith.constant 0 : i32
      %dma_wait3A_68 = arith.constant 0 : i32
      %dma_wait3A_69 = tpu.memref_slice %arg8[%dma_wait3A_67, %dma_wait3A_68] : memref<40x128xi32, #tpu.memory_space<vmem>> -> memref<39x128xi32, #tpu.memory_space<vmem>>
      %dma_wait3A_70 = arith.constant 40 : i32
      %dma_wait3A_71 = arith.constant 0 : i32
      %dma_wait3A_72 = tpu.memref_slice %arg4[%add3A, %dma_wait3A_70, %dma_wait3A_71] : memref<32x79x128xi32, #tpu.memory_space<hbm>> -> memref<1x39x128xi32, #tpu.memory_space<hbm>>
      %dma_wait3A_73 = tpu.memref_squeeze %dma_wait3A_72 : memref<1x39x128xi32, #tpu.memory_space<hbm>> -> memref<39x128xi32, #tpu.memory_space<hbm>>
      %dma_wait3A_74 = arith.constant 0 : i32
      %dma_wait3A_75 = arith.constant 0 : i32
      %dma_wait3A_76 = tpu.memref_slice %arg8[%dma_wait3A_74, %dma_wait3A_75] : memref<40x128xi32, #tpu.memory_space<vmem>> -> memref<39x128xi32, #tpu.memory_space<vmem>>
      %dma_wait3A_77 = arith.constant 40 : i32
      %dma_wait3A_78 = arith.constant 0 : i32
      %dma_wait3A_79 = tpu.memref_slice %arg4[%add3A, %dma_wait3A_77, %dma_wait3A_78] : memref<32x79x128xi32, #tpu.memory_space<hbm>> -> memref<1x39x128xi32, #tpu.memory_space<hbm>>
      %dma_wait3A_80 = tpu.memref_squeeze %dma_wait3A_79 : memref<1x39x128xi32, #tpu.memory_space<hbm>> -> memref<39x128xi32, #tpu.memory_space<hbm>>
      tpu.wait_dma2 semaphore(%run_scoped3A_52 : memref<!tpu.dma_semaphore, #tpu.memory_space<semaphore_mem>>) src(%dma_wait3A_80 : memref<39x128xi32, #tpu.memory_space<hbm>>) dst(%dma_wait3A_76 : memref<39x128xi32, #tpu.memory_space<vmem>>)
      tpu.yield
    }) : () -> ()
    %dma_start3A_22 = arith.constant 0 : i32
    %dma_start3A_23 = arith.constant 0 : i32
    %dma_start3A_24 = tpu.memref_slice %arg7[%dma_start3A_22, %dma_start3A_23] : memref<40x128xi32, #tpu.memory_space<vmem>> -> memref<1x128xi32, #tpu.memory_space<vmem>>
    %dma_start3A_25 = tpu.memref_squeeze %dma_start3A_24 : memref<1x128xi32, #tpu.memory_space<vmem>> -> memref<128xi32, #tpu.memory_space<vmem>>
    %dma_start3A_26 = arith.constant 0 : i32
    %dma_start3A_27 = arith.constant 0 : i32
    %dma_start3A_28 = tpu.memref_slice %arg2[%dma_start3A_26, %dma_start3A_27] : memref<10112x128xf32, #tpu.memory_space<hbm>> -> memref<10112x128xf32, #tpu.memory_space<hbm>>
    tpu.enqueue_indirect_dma source(%dma_start3A_28 : memref<10112x128xf32, #tpu.memory_space<hbm>>) target(%arg9 : memref<128x128xf32, #tpu.memory_space<vmem>>) offsets(%dma_start3A_25 : memref<128xi32, #tpu.memory_space<vmem>>) semaphore(%arg12 : memref<!tpu.dma_semaphore, #tpu.memory_space<semaphore_mem>>)
    %dma_start3A_29 = arith.constant 1 : i32
    %dma_start3A_30 = arith.constant 0 : i32
    %dma_start3A_31 = tpu.memref_slice %arg7[%dma_start3A_29, %dma_start3A_30] : memref<40x128xi32, #tpu.memory_space<vmem>> -> memref<1x128xi32, #tpu.memory_space<vmem>>
    %dma_start3A_32 = tpu.memref_squeeze %dma_start3A_31 : memref<1x128xi32, #tpu.memory_space<vmem>> -> memref<128xi32, #tpu.memory_space<vmem>>
    %dma_start3A_33 = arith.constant 0 : i32
    %dma_start3A_34 = arith.constant 0 : i32
    %dma_start3A_35 = tpu.memref_slice %arg2[%dma_start3A_33, %dma_start3A_34] : memref<10112x128xf32, #tpu.memory_space<hbm>> -> memref<10112x128xf32, #tpu.memory_space<hbm>>
    tpu.enqueue_indirect_dma source(%dma_start3A_35 : memref<10112x128xf32, #tpu.memory_space<hbm>>) target(%arg10 : memref<128x128xf32, #tpu.memory_space<vmem>>) offsets(%dma_start3A_32 : memref<128xi32, #tpu.memory_space<vmem>>) semaphore(%arg13 : memref<!tpu.dma_semaphore, #tpu.memory_space<semaphore_mem>>)
    %scan3A_36 = arith.constant 0 : i32
    %scan3A_37 = arith.constant 0 : i32
    %scan3A_38 = arith.constant 19 : i32
    %scan3A_39 = arith.addi %scan3A_37, %scan3A_38 : i32
    %scan3A_40 = arith.constant 1 : i32
    %scan3A_41 = scf.for %scan3A_52 = %scan3A_37 to %scan3A_39 step %scan3A_40 iter_args(%scan3A_53 = %scan3A_36) -> (i32)  : i32 {
      %mul3A_54 = arith.constant 2 : i32
      %mul3A_55 = arith.muli %mul3A_54, %scan3A_52 : i32
      %dma_wait3A_56 = arith.constant 0 : i32
      %dma_wait3A_57 = arith.constant 0 : i32
      %dma_wait3A_58 = tpu.memref_slice %arg2[%dma_wait3A_56, %dma_wait3A_57] : memref<10112x128xf32, #tpu.memory_space<hbm>> -> memref<128x128xf32, #tpu.memory_space<hbm>>
      %dma_wait3A_59 = arith.constant 0 : i32
      %dma_wait3A_60 = arith.constant 0 : i32
      %dma_wait3A_61 = tpu.memref_slice %arg2[%dma_wait3A_59, %dma_wait3A_60] : memref<10112x128xf32, #tpu.memory_space<hbm>> -> memref<128x128xf32, #tpu.memory_space<hbm>>
      tpu.wait_dma2 semaphore(%arg12 : memref<!tpu.dma_semaphore, #tpu.memory_space<semaphore_mem>>) src(%dma_wait3A_61 : memref<128x128xf32, #tpu.memory_space<hbm>>) dst(%arg9 : memref<128x128xf32, #tpu.memory_space<vmem>>)
      "tpu.region"() ({
        %run_scoped3A_82 = tpu.sem_alloc : memref<!tpu.dma_semaphore, #tpu.memory_space<semaphore_mem>>
        %dma_start3A_83 = arith.constant 0 : i32
        %dma_start3A_84 = tpu.memref_slice %arg8[%mul3A_55, %dma_start3A_83] : memref<40x128xi32, #tpu.memory_space<vmem>> -> memref<1x128xi32, #tpu.memory_space<vmem>>
        %dma_start3A_85 = tpu.memref_squeeze %dma_start3A_84 : memref<1x128xi32, #tpu.memory_space<vmem>> -> memref<128xi32, #tpu.memory_space<vmem>>
        %dma_start3A_86 = arith.constant 0 : i32
        %dma_start3A_87 = arith.constant 0 : i32
        %dma_start3A_88 = tpu.memref_slice %arg11[%dma_start3A_86, %dma_start3A_87] : memref<10112x128xf32, #tpu.memory_space<vmem_shared>> -> memref<10112x128xf32, #tpu.memory_space<vmem_shared>>
        tpu.enqueue_indirect_dma source(%arg9 : memref<128x128xf32, #tpu.memory_space<vmem>>) target(%dma_start3A_88 : memref<10112x128xf32, #tpu.memory_space<vmem_shared>>) offsets(%dma_start3A_85 : memref<128xi32, #tpu.memory_space<vmem>>) semaphore(%run_scoped3A_82 : memref<!tpu.dma_semaphore, #tpu.memory_space<semaphore_mem>>) {add = true}
        %dma_wait3A_89 = arith.constant 0 : i32
        %dma_wait3A_90 = tpu.memref_slice %arg8[%mul3A_55, %dma_wait3A_89] : memref<40x128xi32, #tpu.memory_space<vmem>> -> memref<1x128xi32, #tpu.memory_space<vmem>>
        %dma_wait3A_91 = tpu.memref_squeeze %dma_wait3A_90 : memref<1x128xi32, #tpu.memory_space<vmem>> -> memref<128xi32, #tpu.memory_space<vmem>>
        %dma_wait3A_92 = arith.constant 0 : i32
        %dma_wait3A_93 = arith.constant 0 : i32
        %dma_wait3A_94 = tpu.memref_slice %arg11[%dma_wait3A_92, %dma_wait3A_93] : memref<10112x128xf32, #tpu.memory_space<vmem_shared>> -> memref<10112x128xf32, #tpu.memory_space<vmem_shared>>
        tpu.wait_indirect_dma semaphore(%run_scoped3A_82 : memref<!tpu.dma_semaphore, #tpu.memory_space<semaphore_mem>>) src(%arg9 : memref<128x128xf32, #tpu.memory_space<vmem>>) dst(%dma_wait3A_94 : memref<10112x128xf32, #tpu.memory_space<vmem_shared>>)
        tpu.yield
      }) : () -> ()
      %add3A_62 = arith.constant 2 : i32
      %add3A_63 = arith.addi %mul3A_55, %add3A_62 : i32
      %lt3A = arith.constant 39 : i32
      %lt3A_64 = arith.cmpi slt, %add3A_63, %lt3A : i32
      %convert_element_type3A = arith.extui %lt3A_64 : i1 to i32
      %cond3A = arith.constant 0 : i32
      %cond3A_65 = arith.cmpi ne, %convert_element_type3A, %cond3A : i32
      scf.if %cond3A_65 {
        %add3A_82 = arith.constant 2 : i32
        %add3A_83 = arith.addi %mul3A_55, %add3A_82 : i32
        %dma_start3A_84 = arith.constant 0 : i32
        %dma_start3A_85 = tpu.memref_slice %arg7[%add3A_83, %dma_start3A_84] : memref<40x128xi32, #tpu.memory_space<vmem>> -> memref<1x128xi32, #tpu.memory_space<vmem>>
        %dma_start3A_86 = tpu.memref_squeeze %dma_start3A_85 : memref<1x128xi32, #tpu.memory_space<vmem>> -> memref<128xi32, #tpu.memory_space<vmem>>
        %dma_start3A_87 = arith.constant 0 : i32
        %dma_start3A_88 = arith.constant 0 : i32
        %dma_start3A_89 = tpu.memref_slice %arg2[%dma_start3A_87, %dma_start3A_88] : memref<10112x128xf32, #tpu.memory_space<hbm>> -> memref<10112x128xf32, #tpu.memory_space<hbm>>
        tpu.enqueue_indirect_dma source(%dma_start3A_89 : memref<10112x128xf32, #tpu.memory_space<hbm>>) target(%arg9 : memref<128x128xf32, #tpu.memory_space<vmem>>) offsets(%dma_start3A_86 : memref<128xi32, #tpu.memory_space<vmem>>) semaphore(%arg12 : memref<!tpu.dma_semaphore, #tpu.memory_space<semaphore_mem>>)
      } else {
      }
      %dma_wait3A_66 = arith.constant 0 : i32
      %dma_wait3A_67 = arith.constant 0 : i32
      %dma_wait3A_68 = tpu.memref_slice %arg2[%dma_wait3A_66, %dma_wait3A_67] : memref<10112x128xf32, #tpu.memory_space<hbm>> -> memref<128x128xf32, #tpu.memory_space<hbm>>
      %dma_wait3A_69 = arith.constant 0 : i32
      %dma_wait3A_70 = arith.constant 0 : i32
      %dma_wait3A_71 = tpu.memref_slice %arg2[%dma_wait3A_69, %dma_wait3A_70] : memref<10112x128xf32, #tpu.memory_space<hbm>> -> memref<128x128xf32, #tpu.memory_space<hbm>>
      tpu.wait_dma2 semaphore(%arg13 : memref<!tpu.dma_semaphore, #tpu.memory_space<semaphore_mem>>) src(%dma_wait3A_71 : memref<128x128xf32, #tpu.memory_space<hbm>>) dst(%arg10 : memref<128x128xf32, #tpu.memory_space<vmem>>)
      %add3A_72 = arith.constant 1 : i32
      %add3A_73 = arith.addi %mul3A_55, %add3A_72 : i32
      "tpu.region"() ({
        %run_scoped3A_82 = tpu.sem_alloc : memref<!tpu.dma_semaphore, #tpu.memory_space<semaphore_mem>>
        %dma_start3A_83 = arith.constant 0 : i32
        %dma_start3A_84 = tpu.memref_slice %arg8[%add3A_73, %dma_start3A_83] : memref<40x128xi32, #tpu.memory_space<vmem>> -> memref<1x128xi32, #tpu.memory_space<vmem>>
        %dma_start3A_85 = tpu.memref_squeeze %dma_start3A_84 : memref<1x128xi32, #tpu.memory_space<vmem>> -> memref<128xi32, #tpu.memory_space<vmem>>
        %dma_start3A_86 = arith.constant 0 : i32
        %dma_start3A_87 = arith.constant 0 : i32
        %dma_start3A_88 = tpu.memref_slice %arg11[%dma_start3A_86, %dma_start3A_87] : memref<10112x128xf32, #tpu.memory_space<vmem_shared>> -> memref<10112x128xf32, #tpu.memory_space<vmem_shared>>
        tpu.enqueue_indirect_dma source(%arg10 : memref<128x128xf32, #tpu.memory_space<vmem>>) target(%dma_start3A_88 : memref<10112x128xf32, #tpu.memory_space<vmem_shared>>) offsets(%dma_start3A_85 : memref<128xi32, #tpu.memory_space<vmem>>) semaphore(%run_scoped3A_82 : memref<!tpu.dma_semaphore, #tpu.memory_space<semaphore_mem>>) {add = true}
        %dma_wait3A_89 = arith.constant 0 : i32
        %dma_wait3A_90 = tpu.memref_slice %arg8[%add3A_73, %dma_wait3A_89] : memref<40x128xi32, #tpu.memory_space<vmem>> -> memref<1x128xi32, #tpu.memory_space<vmem>>
        %dma_wait3A_91 = tpu.memref_squeeze %dma_wait3A_90 : memref<1x128xi32, #tpu.memory_space<vmem>> -> memref<128xi32, #tpu.memory_space<vmem>>
        %dma_wait3A_92 = arith.constant 0 : i32
        %dma_wait3A_93 = arith.constant 0 : i32
        %dma_wait3A_94 = tpu.memref_slice %arg11[%dma_wait3A_92, %dma_wait3A_93] : memref<10112x128xf32, #tpu.memory_space<vmem_shared>> -> memref<10112x128xf32, #tpu.memory_space<vmem_shared>>
        tpu.wait_indirect_dma semaphore(%run_scoped3A_82 : memref<!tpu.dma_semaphore, #tpu.memory_space<semaphore_mem>>) src(%arg10 : memref<128x128xf32, #tpu.memory_space<vmem>>) dst(%dma_wait3A_94 : memref<10112x128xf32, #tpu.memory_space<vmem_shared>>)
        tpu.yield
      }) : () -> ()
      %add3A_74 = arith.constant 3 : i32
      %add3A_75 = arith.addi %mul3A_55, %add3A_74 : i32
      %lt3A_76 = arith.constant 39 : i32
      %lt3A_77 = arith.cmpi slt, %add3A_75, %lt3A_76 : i32
      %convert_element_type3A_78 = arith.extui %lt3A_77 : i1 to i32
      %cond3A_79 = arith.constant 0 : i32
      %cond3A_80 = arith.cmpi ne, %convert_element_type3A_78, %cond3A_79 : i32
      scf.if %cond3A_80 {
        %add3A_82 = arith.constant 3 : i32
        %add3A_83 = arith.addi %mul3A_55, %add3A_82 : i32
        %dma_start3A_84 = arith.constant 0 : i32
        %dma_start3A_85 = tpu.memref_slice %arg7[%add3A_83, %dma_start3A_84] : memref<40x128xi32, #tpu.memory_space<vmem>> -> memref<1x128xi32, #tpu.memory_space<vmem>>
        %dma_start3A_86 = tpu.memref_squeeze %dma_start3A_85 : memref<1x128xi32, #tpu.memory_space<vmem>> -> memref<128xi32, #tpu.memory_space<vmem>>
        %dma_start3A_87 = arith.constant 0 : i32
        %dma_start3A_88 = arith.constant 0 : i32
        %dma_start3A_89 = tpu.memref_slice %arg2[%dma_start3A_87, %dma_start3A_88] : memref<10112x128xf32, #tpu.memory_space<hbm>> -> memref<10112x128xf32, #tpu.memory_space<hbm>>
        tpu.enqueue_indirect_dma source(%dma_start3A_89 : memref<10112x128xf32, #tpu.memory_space<hbm>>) target(%arg10 : memref<128x128xf32, #tpu.memory_space<vmem>>) offsets(%dma_start3A_86 : memref<128xi32, #tpu.memory_space<vmem>>) semaphore(%arg13 : memref<!tpu.dma_semaphore, #tpu.memory_space<semaphore_mem>>)
      } else {
      }
      %scan3A_81 = arith.constant 0 : i32
      scf.yield %scan3A_81 : i32
    }
    %scan3A_42 = arith.constant 19 : i32
    %dma_wait3A = arith.constant 0 : i32
    %dma_wait3A_43 = arith.constant 0 : i32
    %dma_wait3A_44 = tpu.memref_slice %arg2[%dma_wait3A, %dma_wait3A_43] : memref<10112x128xf32, #tpu.memory_space<hbm>> -> memref<128x128xf32, #tpu.memory_space<hbm>>
    %dma_wait3A_45 = arith.constant 0 : i32
    %dma_wait3A_46 = arith.constant 0 : i32
    %dma_wait3A_47 = tpu.memref_slice %arg2[%dma_wait3A_45, %dma_wait3A_46] : memref<10112x128xf32, #tpu.memory_space<hbm>> -> memref<128x128xf32, #tpu.memory_space<hbm>>
    tpu.wait_dma2 semaphore(%arg12 : memref<!tpu.dma_semaphore, #tpu.memory_space<semaphore_mem>>) src(%dma_wait3A_47 : memref<128x128xf32, #tpu.memory_space<hbm>>) dst(%arg9 : memref<128x128xf32, #tpu.memory_space<vmem>>)
    %run_scoped3A = arith.constant 38 : i32
    "tpu.region"() ({
      %run_scoped3A_52 = tpu.sem_alloc : memref<!tpu.dma_semaphore, #tpu.memory_space<semaphore_mem>>
      %dma_start3A_53 = arith.constant 0 : i32
      %dma_start3A_54 = tpu.memref_slice %arg8[%run_scoped3A, %dma_start3A_53] : memref<40x128xi32, #tpu.memory_space<vmem>> -> memref<1x128xi32, #tpu.memory_space<vmem>>
      %dma_start3A_55 = tpu.memref_squeeze %dma_start3A_54 : memref<1x128xi32, #tpu.memory_space<vmem>> -> memref<128xi32, #tpu.memory_space<vmem>>
      %dma_start3A_56 = arith.constant 0 : i32
      %dma_start3A_57 = arith.constant 0 : i32
      %dma_start3A_58 = tpu.memref_slice %arg11[%dma_start3A_56, %dma_start3A_57] : memref<10112x128xf32, #tpu.memory_space<vmem_shared>> -> memref<10112x128xf32, #tpu.memory_space<vmem_shared>>
      tpu.enqueue_indirect_dma source(%arg9 : memref<128x128xf32, #tpu.memory_space<vmem>>) target(%dma_start3A_58 : memref<10112x128xf32, #tpu.memory_space<vmem_shared>>) offsets(%dma_start3A_55 : memref<128xi32, #tpu.memory_space<vmem>>) semaphore(%run_scoped3A_52 : memref<!tpu.dma_semaphore, #tpu.memory_space<semaphore_mem>>) {add = true}
      %dma_wait3A_59 = arith.constant 0 : i32
      %dma_wait3A_60 = tpu.memref_slice %arg8[%run_scoped3A, %dma_wait3A_59] : memref<40x128xi32, #tpu.memory_space<vmem>> -> memref<1x128xi32, #tpu.memory_space<vmem>>
      %dma_wait3A_61 = tpu.memref_squeeze %dma_wait3A_60 : memref<1x128xi32, #tpu.memory_space<vmem>> -> memref<128xi32, #tpu.memory_space<vmem>>
      %dma_wait3A_62 = arith.constant 0 : i32
      %dma_wait3A_63 = arith.constant 0 : i32
      %dma_wait3A_64 = tpu.memref_slice %arg11[%dma_wait3A_62, %dma_wait3A_63] : memref<10112x128xf32, #tpu.memory_space<vmem_shared>> -> memref<10112x128xf32, #tpu.memory_space<vmem_shared>>
      tpu.wait_indirect_dma semaphore(%run_scoped3A_52 : memref<!tpu.dma_semaphore, #tpu.memory_space<semaphore_mem>>) src(%arg9 : memref<128x128xf32, #tpu.memory_space<vmem>>) dst(%dma_wait3A_64 : memref<10112x128xf32, #tpu.memory_space<vmem_shared>>)
      tpu.yield
    }) : () -> ()
    %barrier3A_48 = arith.constant 0 : index
    tpu.barrier barrier_id(%barrier3A_48)
    %mul3A_49 = arith.constant 10112 : i32
    %mul3A_50 = arith.muli %arg0, %mul3A_49 : i32
    %add3A_51 = arith.addi %mul3A_50, %mul3A_2 : i32
    "tpu.region"() ({
      %run_scoped3A_52 = tpu.sem_alloc : memref<!tpu.dma_semaphore, #tpu.memory_space<semaphore_mem>>
      %dma_start3A_53 = arith.constant 0 : i32
      %dma_start3A_54 = tpu.memref_slice %arg6[%add3A_51, %dma_start3A_53] : memref<20224x128xf32, #tpu.memory_space<hbm>> -> memref<632x128xf32, #tpu.memory_space<hbm>>
      %dma_start3A_55 = arith.constant 0 : i32
      %dma_start3A_56 = tpu.memref_slice %arg11[%mul3A_2, %dma_start3A_55] : memref<10112x128xf32, #tpu.memory_space<vmem_shared>> -> memref<632x128xf32, #tpu.memory_space<vmem_shared>>
      tpu.enqueue_dma source(%dma_start3A_56 : memref<632x128xf32, #tpu.memory_space<vmem_shared>>) target(%dma_start3A_54 : memref<632x128xf32, #tpu.memory_space<hbm>>) target_semaphore(%run_scoped3A_52 : memref<!tpu.dma_semaphore, #tpu.memory_space<semaphore_mem>>)
      %dma_wait3A_57 = arith.constant 0 : i32
      %dma_wait3A_58 = tpu.memref_slice %arg6[%add3A_51, %dma_wait3A_57] : memref<20224x128xf32, #tpu.memory_space<hbm>> -> memref<632x128xf32, #tpu.memory_space<hbm>>
      %dma_wait3A_59 = arith.constant 0 : i32
      %dma_wait3A_60 = tpu.memref_slice %arg11[%mul3A_2, %dma_wait3A_59] : memref<10112x128xf32, #tpu.memory_space<vmem_shared>> -> memref<632x128xf32, #tpu.memory_space<vmem_shared>>
      tpu.wait_dma2 semaphore(%run_scoped3A_52 : memref<!tpu.dma_semaphore, #tpu.memory_space<semaphore_mem>>) src(%dma_wait3A_60 : memref<632x128xf32, #tpu.memory_space<vmem_shared>>) dst(%dma_wait3A_58 : memref<632x128xf32, #tpu.memory_space<hbm>>)
      tpu.yield
    }) : () -> ()
    return
  }
}

#map = affine_map<(d0, d1) -> (0, 0, 0)>
#map1 = affine_map<(d0, d1) -> (0, 0)>
module attributes {stable_mosaic.version = 14 : i64} {
  func.func @body(%arg0: i32, %arg1: i32, %arg2: memref<32x79x128xi32, #tpu.memory_space<hbm>>, %arg3: memref<632x128xf32, #tpu.memory_space<hbm>>, %arg4: memref<128x128xf32, #tpu.memory_space<hbm>>, %arg5: memref<20224x128xf32, #tpu.memory_space<hbm>>, %arg6: memref<79x128xi32, #tpu.memory_space<vmem>>, %arg7: memref<128x128xf32, #tpu.memory_space<vmem>>, %arg8: memref<10112x128xf32, #tpu.memory_space<vmem_shared>>, %arg9: memref<!tpu.dma_semaphore, #tpu.memory_space<semaphore_mem>>) attributes {dimension_semantics = [#tpu.dimension_semantics<core_parallel>, #tpu.dimension_semantics<subcore_parallel>], iteration_bounds = array<i64: 2, 16>, scalar_prefetch = 0 : i64, scratch_operands = 4 : i64, tpu.core_type = #tpu.core_type<sc_vector_subcore>, window_params = [{transform_indices = #map}, {transform_indices = #map1}, {transform_indices = #map1}, {transform_indices = #map1}]} {
    %mul3A = arith.constant 2 : i32
    %mul3A_0 = arith.muli %arg1, %mul3A : i32
    %add3A = arith.addi %mul3A_0, %arg0 : i32
    %mul3A_1 = arith.constant 632 : i32
    %mul3A_2 = arith.muli %arg1, %mul3A_1 : i32
    "tpu.region"() ({
      %run_scoped3A = tpu.sem_alloc : memref<!tpu.dma_semaphore, #tpu.memory_space<semaphore_mem>>
      %dma_start3A = arith.constant 0 : i32
      %dma_start3A_36 = tpu.memref_slice %arg8[%mul3A_2, %dma_start3A] : memref<10112x128xf32, #tpu.memory_space<vmem_shared>> -> memref<632x128xf32, #tpu.memory_space<vmem_shared>>
      tpu.enqueue_dma source(%arg3 : memref<632x128xf32, #tpu.memory_space<hbm>>) target(%dma_start3A_36 : memref<632x128xf32, #tpu.memory_space<vmem_shared>>) target_semaphore(%run_scoped3A : memref<!tpu.dma_semaphore, #tpu.memory_space<semaphore_mem>>)
      %dma_wait3A_37 = arith.constant 0 : i32
      %dma_wait3A_38 = tpu.memref_slice %arg8[%mul3A_2, %dma_wait3A_37] : memref<10112x128xf32, #tpu.memory_space<vmem_shared>> -> memref<632x128xf32, #tpu.memory_space<vmem_shared>>
      tpu.wait_dma2 semaphore(%run_scoped3A : memref<!tpu.dma_semaphore, #tpu.memory_space<semaphore_mem>>) src(%arg3 : memref<632x128xf32, #tpu.memory_space<hbm>>) dst(%dma_wait3A_38 : memref<632x128xf32, #tpu.memory_space<vmem_shared>>)
      tpu.yield
    }) : () -> ()
    "tpu.region"() ({
      %run_scoped3A = tpu.sem_alloc : memref<!tpu.dma_semaphore, #tpu.memory_space<semaphore_mem>>
      tpu.enqueue_dma source(%arg4 : memref<128x128xf32, #tpu.memory_space<hbm>>) target(%arg7 : memref<128x128xf32, #tpu.memory_space<vmem>>) target_semaphore(%run_scoped3A : memref<!tpu.dma_semaphore, #tpu.memory_space<semaphore_mem>>)
      tpu.wait_dma2 semaphore(%run_scoped3A : memref<!tpu.dma_semaphore, #tpu.memory_space<semaphore_mem>>) src(%arg4 : memref<128x128xf32, #tpu.memory_space<hbm>>) dst(%arg7 : memref<128x128xf32, #tpu.memory_space<vmem>>)
      tpu.yield
    }) : () -> ()
    "tpu.region"() ({
      %run_scoped3A = tpu.sem_alloc : memref<!tpu.dma_semaphore, #tpu.memory_space<semaphore_mem>>
      %dma_start3A = arith.constant 0 : i32
      %dma_start3A_36 = arith.constant 0 : i32
      %dma_start3A_37 = tpu.memref_slice %arg2[%add3A, %dma_start3A, %dma_start3A_36] : memref<32x79x128xi32, #tpu.memory_space<hbm>> -> memref<1x79x128xi32, #tpu.memory_space<hbm>>
      %dma_start3A_38 = tpu.memref_squeeze %dma_start3A_37 : memref<1x79x128xi32, #tpu.memory_space<hbm>> -> memref<79x128xi32, #tpu.memory_space<hbm>>
      %dma_start3A_39 = arith.constant 0 : i32
      %dma_start3A_40 = arith.constant 0 : i32
      %dma_start3A_41 = tpu.memref_slice %arg2[%add3A, %dma_start3A_39, %dma_start3A_40] : memref<32x79x128xi32, #tpu.memory_space<hbm>> -> memref<1x79x128xi32, #tpu.memory_space<hbm>>
      %dma_start3A_42 = tpu.memref_squeeze %dma_start3A_41 : memref<1x79x128xi32, #tpu.memory_space<hbm>> -> memref<79x128xi32, #tpu.memory_space<hbm>>
      tpu.enqueue_dma source(%dma_start3A_42 : memref<79x128xi32, #tpu.memory_space<hbm>>) target(%arg6 : memref<79x128xi32, #tpu.memory_space<vmem>>) target_semaphore(%run_scoped3A : memref<!tpu.dma_semaphore, #tpu.memory_space<semaphore_mem>>)
      %dma_wait3A_43 = arith.constant 0 : i32
      %dma_wait3A_44 = arith.constant 0 : i32
      %dma_wait3A_45 = tpu.memref_slice %arg2[%add3A, %dma_wait3A_43, %dma_wait3A_44] : memref<32x79x128xi32, #tpu.memory_space<hbm>> -> memref<1x79x128xi32, #tpu.memory_space<hbm>>
      %dma_wait3A_46 = tpu.memref_squeeze %dma_wait3A_45 : memref<1x79x128xi32, #tpu.memory_space<hbm>> -> memref<79x128xi32, #tpu.memory_space<hbm>>
      %dma_wait3A_47 = arith.constant 0 : i32
      %dma_wait3A_48 = arith.constant 0 : i32
      %dma_wait3A_49 = tpu.memref_slice %arg2[%add3A, %dma_wait3A_47, %dma_wait3A_48] : memref<32x79x128xi32, #tpu.memory_space<hbm>> -> memref<1x79x128xi32, #tpu.memory_space<hbm>>
      %dma_wait3A_50 = tpu.memref_squeeze %dma_wait3A_49 : memref<1x79x128xi32, #tpu.memory_space<hbm>> -> memref<79x128xi32, #tpu.memory_space<hbm>>
      tpu.wait_dma2 semaphore(%run_scoped3A : memref<!tpu.dma_semaphore, #tpu.memory_space<semaphore_mem>>) src(%dma_wait3A_50 : memref<79x128xi32, #tpu.memory_space<hbm>>) dst(%arg6 : memref<79x128xi32, #tpu.memory_space<vmem>>)
      tpu.yield
    }) : () -> ()
    %barrier3A = arith.constant 0 : index
    tpu.barrier barrier_id(%barrier3A)
    %scan3A = arith.constant 0 : i32
    %scan3A_3 = arith.constant 0 : i32
    %scan3A_4 = arith.constant 79 : i32
    %scan3A_5 = arith.addi %scan3A_3, %scan3A_4 : i32
    %scan3A_6 = arith.constant 1 : i32
    %scan3A_7 = scf.for %scan3A_36 = %scan3A_3 to %scan3A_5 step %scan3A_6 iter_args(%scan3A_37 = %scan3A) -> (i32)  : i32 {
      %dma_start3A = arith.constant 0 : i32
      %dma_start3A_38 = tpu.memref_slice %arg6[%scan3A_36, %dma_start3A] : memref<79x128xi32, #tpu.memory_space<vmem>> -> memref<1x128xi32, #tpu.memory_space<vmem>>
      %dma_start3A_39 = tpu.memref_squeeze %dma_start3A_38 : memref<1x128xi32, #tpu.memory_space<vmem>> -> memref<128xi32, #tpu.memory_space<vmem>>
      %dma_start3A_40 = arith.constant 0 : i32
      %dma_start3A_41 = arith.constant 0 : i32
      %dma_start3A_42 = tpu.memref_slice %arg8[%dma_start3A_40, %dma_start3A_41] : memref<10112x128xf32, #tpu.memory_space<vmem_shared>> -> memref<10112x128xf32, #tpu.memory_space<vmem_shared>>
      tpu.enqueue_indirect_dma source(%arg7 : memref<128x128xf32, #tpu.memory_space<vmem>>) target(%dma_start3A_42 : memref<10112x128xf32, #tpu.memory_space<vmem_shared>>) offsets(%dma_start3A_39 : memref<128xi32, #tpu.memory_space<vmem>>) semaphore(%arg9 : memref<!tpu.dma_semaphore, #tpu.memory_space<semaphore_mem>>) {add = true}
      %ge3A = arith.constant 4 : i32
      %ge3A_43 = arith.cmpi sge, %scan3A_36, %ge3A : i32
      %convert_element_type3A = arith.extui %ge3A_43 : i1 to i32
      %cond3A = arith.constant 0 : i32
      %cond3A_44 = arith.cmpi ne, %convert_element_type3A, %cond3A : i32
      scf.if %cond3A_44 {
        %dma_wait3A_46 = arith.constant 0 : i32
        %dma_wait3A_47 = arith.constant 0 : i32
        %dma_wait3A_48 = tpu.memref_slice %arg8[%dma_wait3A_46, %dma_wait3A_47] : memref<10112x128xf32, #tpu.memory_space<vmem_shared>> -> memref<128x128xf32, #tpu.memory_space<vmem_shared>>
        %dma_wait3A_49 = arith.constant 0 : i32
        %dma_wait3A_50 = arith.constant 0 : i32
        %dma_wait3A_51 = tpu.memref_slice %arg8[%dma_wait3A_49, %dma_wait3A_50] : memref<10112x128xf32, #tpu.memory_space<vmem_shared>> -> memref<128x128xf32, #tpu.memory_space<vmem_shared>>
        tpu.wait_dma2 semaphore(%arg9 : memref<!tpu.dma_semaphore, #tpu.memory_space<semaphore_mem>>) src(%arg7 : memref<128x128xf32, #tpu.memory_space<vmem>>) dst(%dma_wait3A_51 : memref<128x128xf32, #tpu.memory_space<vmem_shared>>)
      } else {
      }
      %scan3A_45 = arith.constant 0 : i32
      scf.yield %scan3A_45 : i32
    }
    %scan3A_8 = arith.constant 79 : i32
    %dma_wait3A = arith.constant 0 : i32
    %dma_wait3A_9 = arith.constant 0 : i32
    %dma_wait3A_10 = tpu.memref_slice %arg8[%dma_wait3A, %dma_wait3A_9] : memref<10112x128xf32, #tpu.memory_space<vmem_shared>> -> memref<128x128xf32, #tpu.memory_space<vmem_shared>>
    %dma_wait3A_11 = arith.constant 0 : i32
    %dma_wait3A_12 = arith.constant 0 : i32
    %dma_wait3A_13 = tpu.memref_slice %arg8[%dma_wait3A_11, %dma_wait3A_12] : memref<10112x128xf32, #tpu.memory_space<vmem_shared>> -> memref<128x128xf32, #tpu.memory_space<vmem_shared>>
    tpu.wait_dma2 semaphore(%arg9 : memref<!tpu.dma_semaphore, #tpu.memory_space<semaphore_mem>>) src(%arg7 : memref<128x128xf32, #tpu.memory_space<vmem>>) dst(%dma_wait3A_13 : memref<128x128xf32, #tpu.memory_space<vmem_shared>>)
    %dma_wait3A_14 = arith.constant 0 : i32
    %dma_wait3A_15 = arith.constant 0 : i32
    %dma_wait3A_16 = tpu.memref_slice %arg8[%dma_wait3A_14, %dma_wait3A_15] : memref<10112x128xf32, #tpu.memory_space<vmem_shared>> -> memref<128x128xf32, #tpu.memory_space<vmem_shared>>
    %dma_wait3A_17 = arith.constant 0 : i32
    %dma_wait3A_18 = arith.constant 0 : i32
    %dma_wait3A_19 = tpu.memref_slice %arg8[%dma_wait3A_17, %dma_wait3A_18] : memref<10112x128xf32, #tpu.memory_space<vmem_shared>> -> memref<128x128xf32, #tpu.memory_space<vmem_shared>>
    tpu.wait_dma2 semaphore(%arg9 : memref<!tpu.dma_semaphore, #tpu.memory_space<semaphore_mem>>) src(%arg7 : memref<128x128xf32, #tpu.memory_space<vmem>>) dst(%dma_wait3A_19 : memref<128x128xf32, #tpu.memory_space<vmem_shared>>)
    %dma_wait3A_20 = arith.constant 0 : i32
    %dma_wait3A_21 = arith.constant 0 : i32
    %dma_wait3A_22 = tpu.memref_slice %arg8[%dma_wait3A_20, %dma_wait3A_21] : memref<10112x128xf32, #tpu.memory_space<vmem_shared>> -> memref<128x128xf32, #tpu.memory_space<vmem_shared>>
    %dma_wait3A_23 = arith.constant 0 : i32
    %dma_wait3A_24 = arith.constant 0 : i32
    %dma_wait3A_25 = tpu.memref_slice %arg8[%dma_wait3A_23, %dma_wait3A_24] : memref<10112x128xf32, #tpu.memory_space<vmem_shared>> -> memref<128x128xf32, #tpu.memory_space<vmem_shared>>
    tpu.wait_dma2 semaphore(%arg9 : memref<!tpu.dma_semaphore, #tpu.memory_space<semaphore_mem>>) src(%arg7 : memref<128x128xf32, #tpu.memory_space<vmem>>) dst(%dma_wait3A_25 : memref<128x128xf32, #tpu.memory_space<vmem_shared>>)
    %dma_wait3A_26 = arith.constant 0 : i32
    %dma_wait3A_27 = arith.constant 0 : i32
    %dma_wait3A_28 = tpu.memref_slice %arg8[%dma_wait3A_26, %dma_wait3A_27] : memref<10112x128xf32, #tpu.memory_space<vmem_shared>> -> memref<128x128xf32, #tpu.memory_space<vmem_shared>>
    %dma_wait3A_29 = arith.constant 0 : i32
    %dma_wait3A_30 = arith.constant 0 : i32
    %dma_wait3A_31 = tpu.memref_slice %arg8[%dma_wait3A_29, %dma_wait3A_30] : memref<10112x128xf32, #tpu.memory_space<vmem_shared>> -> memref<128x128xf32, #tpu.memory_space<vmem_shared>>
    tpu.wait_dma2 semaphore(%arg9 : memref<!tpu.dma_semaphore, #tpu.memory_space<semaphore_mem>>) src(%arg7 : memref<128x128xf32, #tpu.memory_space<vmem>>) dst(%dma_wait3A_31 : memref<128x128xf32, #tpu.memory_space<vmem_shared>>)
    %barrier3A_32 = arith.constant 0 : index
    tpu.barrier barrier_id(%barrier3A_32)
    %mul3A_33 = arith.constant 10112 : i32
    %mul3A_34 = arith.muli %arg0, %mul3A_33 : i32
    %add3A_35 = arith.addi %mul3A_34, %mul3A_2 : i32
    "tpu.region"() ({
      %run_scoped3A = tpu.sem_alloc : memref<!tpu.dma_semaphore, #tpu.memory_space<semaphore_mem>>
      %dma_start3A = arith.constant 0 : i32
      %dma_start3A_36 = tpu.memref_slice %arg5[%add3A_35, %dma_start3A] : memref<20224x128xf32, #tpu.memory_space<hbm>> -> memref<632x128xf32, #tpu.memory_space<hbm>>
      %dma_start3A_37 = arith.constant 0 : i32
      %dma_start3A_38 = tpu.memref_slice %arg8[%mul3A_2, %dma_start3A_37] : memref<10112x128xf32, #tpu.memory_space<vmem_shared>> -> memref<632x128xf32, #tpu.memory_space<vmem_shared>>
      tpu.enqueue_dma source(%dma_start3A_38 : memref<632x128xf32, #tpu.memory_space<vmem_shared>>) target(%dma_start3A_36 : memref<632x128xf32, #tpu.memory_space<hbm>>) target_semaphore(%run_scoped3A : memref<!tpu.dma_semaphore, #tpu.memory_space<semaphore_mem>>)
      %dma_wait3A_39 = arith.constant 0 : i32
      %dma_wait3A_40 = tpu.memref_slice %arg5[%add3A_35, %dma_wait3A_39] : memref<20224x128xf32, #tpu.memory_space<hbm>> -> memref<632x128xf32, #tpu.memory_space<hbm>>
      %dma_wait3A_41 = arith.constant 0 : i32
      %dma_wait3A_42 = tpu.memref_slice %arg8[%mul3A_2, %dma_wait3A_41] : memref<10112x128xf32, #tpu.memory_space<vmem_shared>> -> memref<632x128xf32, #tpu.memory_space<vmem_shared>>
      tpu.wait_dma2 semaphore(%run_scoped3A : memref<!tpu.dma_semaphore, #tpu.memory_space<semaphore_mem>>) src(%dma_wait3A_42 : memref<632x128xf32, #tpu.memory_space<vmem_shared>>) dst(%dma_wait3A_40 : memref<632x128xf32, #tpu.memory_space<hbm>>)
      tpu.yield
    }) : () -> ()
    return
  }
}

#map = affine_map<(d0, d1) -> (0, 0)>
#map1 = affine_map<(d0, d1) -> (0, 0, 0)>
module attributes {stable_mosaic.version = 14 : i64} {
  func.func @body(%arg0: i32, %arg1: i32, %arg2: memref<10112x128xf32, #tpu.memory_space<hbm>>, %arg3: memref<32x79x128xi32, #tpu.memory_space<hbm>>, %arg4: memref<32x79x128xi32, #tpu.memory_space<hbm>>, %arg5: memref<632x128xf32, #tpu.memory_space<hbm>>, %arg6: memref<20224x128xf32, #tpu.memory_space<hbm>>, %arg7: memref<40x128xi32, #tpu.memory_space<vmem>>, %arg8: memref<40x128xi32, #tpu.memory_space<vmem>>, %arg9: memref<128x128xf32, #tpu.memory_space<vmem>>, %arg10: memref<128x128xf32, #tpu.memory_space<vmem>>, %arg11: memref<10112x128xf32, #tpu.memory_space<vmem_shared>>, %arg12: memref<!tpu.dma_semaphore, #tpu.memory_space<semaphore_mem>>, %arg13: memref<!tpu.dma_semaphore, #tpu.memory_space<semaphore_mem>>) attributes {dimension_semantics = [#tpu.dimension_semantics<core_parallel>, #tpu.dimension_semantics<subcore_parallel>], iteration_bounds = array<i64: 2, 16>, scalar_prefetch = 0 : i64, scratch_operands = 7 : i64, tpu.core_type = #tpu.core_type<sc_vector_subcore>, window_params = [{transform_indices = #map}, {transform_indices = #map1}, {transform_indices = #map1}, {transform_indices = #map}, {transform_indices = #map}]} {
    %mul3A = arith.constant 2 : i32
    %mul3A_0 = arith.muli %arg1, %mul3A : i32
    %add3A = arith.addi %mul3A_0, %arg0 : i32
    %mul3A_1 = arith.constant 632 : i32
    %mul3A_2 = arith.muli %arg1, %mul3A_1 : i32
    "tpu.region"() ({
      %run_scoped3A_52 = tpu.sem_alloc : memref<!tpu.dma_semaphore, #tpu.memory_space<semaphore_mem>>
      %dma_start3A_53 = arith.constant 0 : i32
      %dma_start3A_54 = tpu.memref_slice %arg11[%mul3A_2, %dma_start3A_53] : memref<10112x128xf32, #tpu.memory_space<vmem_shared>> -> memref<632x128xf32, #tpu.memory_space<vmem_shared>>
      tpu.enqueue_dma source(%arg5 : memref<632x128xf32, #tpu.memory_space<hbm>>) target(%dma_start3A_54 : memref<632x128xf32, #tpu.memory_space<vmem_shared>>) target_semaphore(%run_scoped3A_52 : memref<!tpu.dma_semaphore, #tpu.memory_space<semaphore_mem>>)
      %dma_wait3A_55 = arith.constant 0 : i32
      %dma_wait3A_56 = tpu.memref_slice %arg11[%mul3A_2, %dma_wait3A_55] : memref<10112x128xf32, #tpu.memory_space<vmem_shared>> -> memref<632x128xf32, #tpu.memory_space<vmem_shared>>
      tpu.wait_dma2 semaphore(%run_scoped3A_52 : memref<!tpu.dma_semaphore, #tpu.memory_space<semaphore_mem>>) src(%arg5 : memref<632x128xf32, #tpu.memory_space<hbm>>) dst(%dma_wait3A_56 : memref<632x128xf32, #tpu.memory_space<vmem_shared>>)
      tpu.yield
    }) : () -> ()
    "tpu.region"() ({
      %run_scoped3A_52 = tpu.sem_alloc : memref<!tpu.dma_semaphore, #tpu.memory_space<semaphore_mem>>
      %dma_start3A_53 = arith.constant 0 : i32
      %dma_start3A_54 = arith.constant 0 : i32
      %dma_start3A_55 = tpu.memref_slice %arg7[%dma_start3A_53, %dma_start3A_54] : memref<40x128xi32, #tpu.memory_space<vmem>> -> memref<40x128xi32, #tpu.memory_space<vmem>>
      %dma_start3A_56 = arith.constant 0 : i32
      %dma_start3A_57 = arith.constant 0 : i32
      %dma_start3A_58 = tpu.memref_slice %arg3[%add3A, %dma_start3A_56, %dma_start3A_57] : memref<32x79x128xi32, #tpu.memory_space<hbm>> -> memref<1x40x128xi32, #tpu.memory_space<hbm>>
      %dma_start3A_59 = tpu.memref_squeeze %dma_start3A_58 : memref<1x40x128xi32, #tpu.memory_space<hbm>> -> memref<40x128xi32, #tpu.memory_space<hbm>>
      %dma_start3A_60 = arith.constant 0 : i32
      %dma_start3A_61 = arith.constant 0 : i32
      %dma_start3A_62 = tpu.memref_slice %arg7[%dma_start3A_60, %dma_start3A_61] : memref<40x128xi32, #tpu.memory_space<vmem>> -> memref<40x128xi32, #tpu.memory_space<vmem>>
      %dma_start3A_63 = arith.constant 0 : i32
      %dma_start3A_64 = arith.constant 0 : i32
      %dma_start3A_65 = tpu.memref_slice %arg3[%add3A, %dma_start3A_63, %dma_start3A_64] : memref<32x79x128xi32, #tpu.memory_space<hbm>> -> memref<1x40x128xi32, #tpu.memory_space<hbm>>
      %dma_start3A_66 = tpu.memref_squeeze %dma_start3A_65 : memref<1x40x128xi32, #tpu.memory_space<hbm>> -> memref<40x128xi32, #tpu.memory_space<hbm>>
      tpu.enqueue_dma source(%dma_start3A_66 : memref<40x128xi32, #tpu.memory_space<hbm>>) target(%dma_start3A_62 : memref<40x128xi32, #tpu.memory_space<vmem>>) target_semaphore(%run_scoped3A_52 : memref<!tpu.dma_semaphore, #tpu.memory_space<semaphore_mem>>)
      %dma_wait3A_67 = arith.constant 0 : i32
      %dma_wait3A_68 = arith.constant 0 : i32
      %dma_wait3A_69 = tpu.memref_slice %arg7[%dma_wait3A_67, %dma_wait3A_68] : memref<40x128xi32, #tpu.memory_space<vmem>> -> memref<40x128xi32, #tpu.memory_space<vmem>>
      %dma_wait3A_70 = arith.constant 0 : i32
      %dma_wait3A_71 = arith.constant 0 : i32
      %dma_wait3A_72 = tpu.memref_slice %arg3[%add3A, %dma_wait3A_70, %dma_wait3A_71] : memref<32x79x128xi32, #tpu.memory_space<hbm>> -> memref<1x40x128xi32, #tpu.memory_space<hbm>>
      %dma_wait3A_73 = tpu.memref_squeeze %dma_wait3A_72 : memref<1x40x128xi32, #tpu.memory_space<hbm>> -> memref<40x128xi32, #tpu.memory_space<hbm>>
      %dma_wait3A_74 = arith.constant 0 : i32
      %dma_wait3A_75 = arith.constant 0 : i32
      %dma_wait3A_76 = tpu.memref_slice %arg7[%dma_wait3A_74, %dma_wait3A_75] : memref<40x128xi32, #tpu.memory_space<vmem>> -> memref<40x128xi32, #tpu.memory_space<vmem>>
      %dma_wait3A_77 = arith.constant 0 : i32
      %dma_wait3A_78 = arith.constant 0 : i32
      %dma_wait3A_79 = tpu.memref_slice %arg3[%add3A, %dma_wait3A_77, %dma_wait3A_78] : memref<32x79x128xi32, #tpu.memory_space<hbm>> -> memref<1x40x128xi32, #tpu.memory_space<hbm>>
      %dma_wait3A_80 = tpu.memref_squeeze %dma_wait3A_79 : memref<1x40x128xi32, #tpu.memory_space<hbm>> -> memref<40x128xi32, #tpu.memory_space<hbm>>
      tpu.wait_dma2 semaphore(%run_scoped3A_52 : memref<!tpu.dma_semaphore, #tpu.memory_space<semaphore_mem>>) src(%dma_wait3A_80 : memref<40x128xi32, #tpu.memory_space<hbm>>) dst(%dma_wait3A_76 : memref<40x128xi32, #tpu.memory_space<vmem>>)
      tpu.yield
    }) : () -> ()
    "tpu.region"() ({
      %run_scoped3A_52 = tpu.sem_alloc : memref<!tpu.dma_semaphore, #tpu.memory_space<semaphore_mem>>
      %dma_start3A_53 = arith.constant 0 : i32
      %dma_start3A_54 = arith.constant 0 : i32
      %dma_start3A_55 = tpu.memref_slice %arg8[%dma_start3A_53, %dma_start3A_54] : memref<40x128xi32, #tpu.memory_space<vmem>> -> memref<40x128xi32, #tpu.memory_space<vmem>>
      %dma_start3A_56 = arith.constant 0 : i32
      %dma_start3A_57 = arith.constant 0 : i32
      %dma_start3A_58 = tpu.memref_slice %arg4[%add3A, %dma_start3A_56, %dma_start3A_57] : memref<32x79x128xi32, #tpu.memory_space<hbm>> -> memref<1x40x128xi32, #tpu.memory_space<hbm>>
      %dma_start3A_59 = tpu.memref_squeeze %dma_start3A_58 : memref<1x40x128xi32, #tpu.memory_space<hbm>> -> memref<40x128xi32, #tpu.memory_space<hbm>>
      %dma_start3A_60 = arith.constant 0 : i32
      %dma_start3A_61 = arith.constant 0 : i32
      %dma_start3A_62 = tpu.memref_slice %arg8[%dma_start3A_60, %dma_start3A_61] : memref<40x128xi32, #tpu.memory_space<vmem>> -> memref<40x128xi32, #tpu.memory_space<vmem>>
      %dma_start3A_63 = arith.constant 0 : i32
      %dma_start3A_64 = arith.constant 0 : i32
      %dma_start3A_65 = tpu.memref_slice %arg4[%add3A, %dma_start3A_63, %dma_start3A_64] : memref<32x79x128xi32, #tpu.memory_space<hbm>> -> memref<1x40x128xi32, #tpu.memory_space<hbm>>
      %dma_start3A_66 = tpu.memref_squeeze %dma_start3A_65 : memref<1x40x128xi32, #tpu.memory_space<hbm>> -> memref<40x128xi32, #tpu.memory_space<hbm>>
      tpu.enqueue_dma source(%dma_start3A_66 : memref<40x128xi32, #tpu.memory_space<hbm>>) target(%dma_start3A_62 : memref<40x128xi32, #tpu.memory_space<vmem>>) target_semaphore(%run_scoped3A_52 : memref<!tpu.dma_semaphore, #tpu.memory_space<semaphore_mem>>)
      %dma_wait3A_67 = arith.constant 0 : i32
      %dma_wait3A_68 = arith.constant 0 : i32
      %dma_wait3A_69 = tpu.memref_slice %arg8[%dma_wait3A_67, %dma_wait3A_68] : memref<40x128xi32, #tpu.memory_space<vmem>> -> memref<40x128xi32, #tpu.memory_space<vmem>>
      %dma_wait3A_70 = arith.constant 0 : i32
      %dma_wait3A_71 = arith.constant 0 : i32
      %dma_wait3A_72 = tpu.memref_slice %arg4[%add3A, %dma_wait3A_70, %dma_wait3A_71] : memref<32x79x128xi32, #tpu.memory_space<hbm>> -> memref<1x40x128xi32, #tpu.memory_space<hbm>>
      %dma_wait3A_73 = tpu.memref_squeeze %dma_wait3A_72 : memref<1x40x128xi32, #tpu.memory_space<hbm>> -> memref<40x128xi32, #tpu.memory_space<hbm>>
      %dma_wait3A_74 = arith.constant 0 : i32
      %dma_wait3A_75 = arith.constant 0 : i32
      %dma_wait3A_76 = tpu.memref_slice %arg8[%dma_wait3A_74, %dma_wait3A_75] : memref<40x128xi32, #tpu.memory_space<vmem>> -> memref<40x128xi32, #tpu.memory_space<vmem>>
      %dma_wait3A_77 = arith.constant 0 : i32
      %dma_wait3A_78 = arith.constant 0 : i32
      %dma_wait3A_79 = tpu.memref_slice %arg4[%add3A, %dma_wait3A_77, %dma_wait3A_78] : memref<32x79x128xi32, #tpu.memory_space<hbm>> -> memref<1x40x128xi32, #tpu.memory_space<hbm>>
      %dma_wait3A_80 = tpu.memref_squeeze %dma_wait3A_79 : memref<1x40x128xi32, #tpu.memory_space<hbm>> -> memref<40x128xi32, #tpu.memory_space<hbm>>
      tpu.wait_dma2 semaphore(%run_scoped3A_52 : memref<!tpu.dma_semaphore, #tpu.memory_space<semaphore_mem>>) src(%dma_wait3A_80 : memref<40x128xi32, #tpu.memory_space<hbm>>) dst(%dma_wait3A_76 : memref<40x128xi32, #tpu.memory_space<vmem>>)
      tpu.yield
    }) : () -> ()
    %dma_start3A = arith.constant 0 : i32
    %dma_start3A_3 = arith.constant 0 : i32
    %dma_start3A_4 = tpu.memref_slice %arg7[%dma_start3A, %dma_start3A_3] : memref<40x128xi32, #tpu.memory_space<vmem>> -> memref<1x128xi32, #tpu.memory_space<vmem>>
    %dma_start3A_5 = tpu.memref_squeeze %dma_start3A_4 : memref<1x128xi32, #tpu.memory_space<vmem>> -> memref<128xi32, #tpu.memory_space<vmem>>
    %dma_start3A_6 = arith.constant 0 : i32
    %dma_start3A_7 = arith.constant 0 : i32
    %dma_start3A_8 = tpu.memref_slice %arg2[%dma_start3A_6, %dma_start3A_7] : memref<10112x128xf32, #tpu.memory_space<hbm>> -> memref<10112x128xf32, #tpu.memory_space<hbm>>
    tpu.enqueue_indirect_dma source(%dma_start3A_8 : memref<10112x128xf32, #tpu.memory_space<hbm>>) target(%arg9 : memref<128x128xf32, #tpu.memory_space<vmem>>) offsets(%dma_start3A_5 : memref<128xi32, #tpu.memory_space<vmem>>) semaphore(%arg12 : memref<!tpu.dma_semaphore, #tpu.memory_space<semaphore_mem>>)
    %dma_start3A_9 = arith.constant 1 : i32
    %dma_start3A_10 = arith.constant 0 : i32
    %dma_start3A_11 = tpu.memref_slice %arg7[%dma_start3A_9, %dma_start3A_10] : memref<40x128xi32, #tpu.memory_space<vmem>> -> memref<1x128xi32, #tpu.memory_space<vmem>>
    %dma_start3A_12 = tpu.memref_squeeze %dma_start3A_11 : memref<1x128xi32, #tpu.memory_space<vmem>> -> memref<128xi32, #tpu.memory_space<vmem>>
    %dma_start3A_13 = arith.constant 0 : i32
    %dma_start3A_14 = arith.constant 0 : i32
    %dma_start3A_15 = tpu.memref_slice %arg2[%dma_start3A_13, %dma_start3A_14] : memref<10112x128xf32, #tpu.memory_space<hbm>> -> memref<10112x128xf32, #tpu.memory_space<hbm>>
    tpu.enqueue_indirect_dma source(%dma_start3A_15 : memref<10112x128xf32, #tpu.memory_space<hbm>>) target(%arg10 : memref<128x128xf32, #tpu.memory_space<vmem>>) offsets(%dma_start3A_12 : memref<128xi32, #tpu.memory_space<vmem>>) semaphore(%arg13 : memref<!tpu.dma_semaphore, #tpu.memory_space<semaphore_mem>>)
    %barrier3A = arith.constant 0 : index
    tpu.barrier barrier_id(%barrier3A)
    %scan3A = arith.constant 0 : i32
    %scan3A_16 = arith.constant 0 : i32
    %scan3A_17 = arith.constant 20 : i32
    %scan3A_18 = arith.addi %scan3A_16, %scan3A_17 : i32
    %scan3A_19 = arith.constant 1 : i32
    %scan3A_20 = scf.for %scan3A_52 = %scan3A_16 to %scan3A_18 step %scan3A_19 iter_args(%scan3A_53 = %scan3A) -> (i32)  : i32 {
      %mul3A_54 = arith.constant 2 : i32
      %mul3A_55 = arith.muli %mul3A_54, %scan3A_52 : i32
      %dma_wait3A_56 = arith.constant 0 : i32
      %dma_wait3A_57 = arith.constant 0 : i32
      %dma_wait3A_58 = tpu.memref_slice %arg2[%dma_wait3A_56, %dma_wait3A_57] : memref<10112x128xf32, #tpu.memory_space<hbm>> -> memref<128x128xf32, #tpu.memory_space<hbm>>
      %dma_wait3A_59 = arith.constant 0 : i32
      %dma_wait3A_60 = arith.constant 0 : i32
      %dma_wait3A_61 = tpu.memref_slice %arg2[%dma_wait3A_59, %dma_wait3A_60] : memref<10112x128xf32, #tpu.memory_space<hbm>> -> memref<128x128xf32, #tpu.memory_space<hbm>>
      tpu.wait_dma2 semaphore(%arg12 : memref<!tpu.dma_semaphore, #tpu.memory_space<semaphore_mem>>) src(%dma_wait3A_61 : memref<128x128xf32, #tpu.memory_space<hbm>>) dst(%arg9 : memref<128x128xf32, #tpu.memory_space<vmem>>)
      "tpu.region"() ({
        %run_scoped3A_82 = tpu.sem_alloc : memref<!tpu.dma_semaphore, #tpu.memory_space<semaphore_mem>>
        %dma_start3A_83 = arith.constant 0 : i32
        %dma_start3A_84 = tpu.memref_slice %arg8[%mul3A_55, %dma_start3A_83] : memref<40x128xi32, #tpu.memory_space<vmem>> -> memref<1x128xi32, #tpu.memory_space<vmem>>
        %dma_start3A_85 = tpu.memref_squeeze %dma_start3A_84 : memref<1x128xi32, #tpu.memory_space<vmem>> -> memref<128xi32, #tpu.memory_space<vmem>>
        %dma_start3A_86 = arith.constant 0 : i32
        %dma_start3A_87 = arith.constant 0 : i32
        %dma_start3A_88 = tpu.memref_slice %arg11[%dma_start3A_86, %dma_start3A_87] : memref<10112x128xf32, #tpu.memory_space<vmem_shared>> -> memref<10112x128xf32, #tpu.memory_space<vmem_shared>>
        tpu.enqueue_indirect_dma source(%arg9 : memref<128x128xf32, #tpu.memory_space<vmem>>) target(%dma_start3A_88 : memref<10112x128xf32, #tpu.memory_space<vmem_shared>>) offsets(%dma_start3A_85 : memref<128xi32, #tpu.memory_space<vmem>>) semaphore(%run_scoped3A_82 : memref<!tpu.dma_semaphore, #tpu.memory_space<semaphore_mem>>) {add = true}
        %dma_wait3A_89 = arith.constant 0 : i32
        %dma_wait3A_90 = tpu.memref_slice %arg8[%mul3A_55, %dma_wait3A_89] : memref<40x128xi32, #tpu.memory_space<vmem>> -> memref<1x128xi32, #tpu.memory_space<vmem>>
        %dma_wait3A_91 = tpu.memref_squeeze %dma_wait3A_90 : memref<1x128xi32, #tpu.memory_space<vmem>> -> memref<128xi32, #tpu.memory_space<vmem>>
        %dma_wait3A_92 = arith.constant 0 : i32
        %dma_wait3A_93 = arith.constant 0 : i32
        %dma_wait3A_94 = tpu.memref_slice %arg11[%dma_wait3A_92, %dma_wait3A_93] : memref<10112x128xf32, #tpu.memory_space<vmem_shared>> -> memref<10112x128xf32, #tpu.memory_space<vmem_shared>>
        tpu.wait_indirect_dma semaphore(%run_scoped3A_82 : memref<!tpu.dma_semaphore, #tpu.memory_space<semaphore_mem>>) src(%arg9 : memref<128x128xf32, #tpu.memory_space<vmem>>) dst(%dma_wait3A_94 : memref<10112x128xf32, #tpu.memory_space<vmem_shared>>)
        tpu.yield
      }) : () -> ()
      %add3A_62 = arith.constant 2 : i32
      %add3A_63 = arith.addi %mul3A_55, %add3A_62 : i32
      %lt3A = arith.constant 40 : i32
      %lt3A_64 = arith.cmpi slt, %add3A_63, %lt3A : i32
      %convert_element_type3A = arith.extui %lt3A_64 : i1 to i32
      %cond3A = arith.constant 0 : i32
      %cond3A_65 = arith.cmpi ne, %convert_element_type3A, %cond3A : i32
      scf.if %cond3A_65 {
        %add3A_82 = arith.constant 2 : i32
        %add3A_83 = arith.addi %mul3A_55, %add3A_82 : i32
        %dma_start3A_84 = arith.constant 0 : i32
        %dma_start3A_85 = tpu.memref_slice %arg7[%add3A_83, %dma_start3A_84] : memref<40x128xi32, #tpu.memory_space<vmem>> -> memref<1x128xi32, #tpu.memory_space<vmem>>
        %dma_start3A_86 = tpu.memref_squeeze %dma_start3A_85 : memref<1x128xi32, #tpu.memory_space<vmem>> -> memref<128xi32, #tpu.memory_space<vmem>>
        %dma_start3A_87 = arith.constant 0 : i32
        %dma_start3A_88 = arith.constant 0 : i32
        %dma_start3A_89 = tpu.memref_slice %arg2[%dma_start3A_87, %dma_start3A_88] : memref<10112x128xf32, #tpu.memory_space<hbm>> -> memref<10112x128xf32, #tpu.memory_space<hbm>>
        tpu.enqueue_indirect_dma source(%dma_start3A_89 : memref<10112x128xf32, #tpu.memory_space<hbm>>) target(%arg9 : memref<128x128xf32, #tpu.memory_space<vmem>>) offsets(%dma_start3A_86 : memref<128xi32, #tpu.memory_space<vmem>>) semaphore(%arg12 : memref<!tpu.dma_semaphore, #tpu.memory_space<semaphore_mem>>)
      } else {
      }
      %dma_wait3A_66 = arith.constant 0 : i32
      %dma_wait3A_67 = arith.constant 0 : i32
      %dma_wait3A_68 = tpu.memref_slice %arg2[%dma_wait3A_66, %dma_wait3A_67] : memref<10112x128xf32, #tpu.memory_space<hbm>> -> memref<128x128xf32, #tpu.memory_space<hbm>>
      %dma_wait3A_69 = arith.constant 0 : i32
      %dma_wait3A_70 = arith.constant 0 : i32
      %dma_wait3A_71 = tpu.memref_slice %arg2[%dma_wait3A_69, %dma_wait3A_70] : memref<10112x128xf32, #tpu.memory_space<hbm>> -> memref<128x128xf32, #tpu.memory_space<hbm>>
      tpu.wait_dma2 semaphore(%arg13 : memref<!tpu.dma_semaphore, #tpu.memory_space<semaphore_mem>>) src(%dma_wait3A_71 : memref<128x128xf32, #tpu.memory_space<hbm>>) dst(%arg10 : memref<128x128xf32, #tpu.memory_space<vmem>>)
      %add3A_72 = arith.constant 1 : i32
      %add3A_73 = arith.addi %mul3A_55, %add3A_72 : i32
      "tpu.region"() ({
        %run_scoped3A_82 = tpu.sem_alloc : memref<!tpu.dma_semaphore, #tpu.memory_space<semaphore_mem>>
        %dma_start3A_83 = arith.constant 0 : i32
        %dma_start3A_84 = tpu.memref_slice %arg8[%add3A_73, %dma_start3A_83] : memref<40x128xi32, #tpu.memory_space<vmem>> -> memref<1x128xi32, #tpu.memory_space<vmem>>
        %dma_start3A_85 = tpu.memref_squeeze %dma_start3A_84 : memref<1x128xi32, #tpu.memory_space<vmem>> -> memref<128xi32, #tpu.memory_space<vmem>>
        %dma_start3A_86 = arith.constant 0 : i32
        %dma_start3A_87 = arith.constant 0 : i32
        %dma_start3A_88 = tpu.memref_slice %arg11[%dma_start3A_86, %dma_start3A_87] : memref<10112x128xf32, #tpu.memory_space<vmem_shared>> -> memref<10112x128xf32, #tpu.memory_space<vmem_shared>>
        tpu.enqueue_indirect_dma source(%arg10 : memref<128x128xf32, #tpu.memory_space<vmem>>) target(%dma_start3A_88 : memref<10112x128xf32, #tpu.memory_space<vmem_shared>>) offsets(%dma_start3A_85 : memref<128xi32, #tpu.memory_space<vmem>>) semaphore(%run_scoped3A_82 : memref<!tpu.dma_semaphore, #tpu.memory_space<semaphore_mem>>) {add = true}
        %dma_wait3A_89 = arith.constant 0 : i32
        %dma_wait3A_90 = tpu.memref_slice %arg8[%add3A_73, %dma_wait3A_89] : memref<40x128xi32, #tpu.memory_space<vmem>> -> memref<1x128xi32, #tpu.memory_space<vmem>>
        %dma_wait3A_91 = tpu.memref_squeeze %dma_wait3A_90 : memref<1x128xi32, #tpu.memory_space<vmem>> -> memref<128xi32, #tpu.memory_space<vmem>>
        %dma_wait3A_92 = arith.constant 0 : i32
        %dma_wait3A_93 = arith.constant 0 : i32
        %dma_wait3A_94 = tpu.memref_slice %arg11[%dma_wait3A_92, %dma_wait3A_93] : memref<10112x128xf32, #tpu.memory_space<vmem_shared>> -> memref<10112x128xf32, #tpu.memory_space<vmem_shared>>
        tpu.wait_indirect_dma semaphore(%run_scoped3A_82 : memref<!tpu.dma_semaphore, #tpu.memory_space<semaphore_mem>>) src(%arg10 : memref<128x128xf32, #tpu.memory_space<vmem>>) dst(%dma_wait3A_94 : memref<10112x128xf32, #tpu.memory_space<vmem_shared>>)
        tpu.yield
      }) : () -> ()
      %add3A_74 = arith.constant 3 : i32
      %add3A_75 = arith.addi %mul3A_55, %add3A_74 : i32
      %lt3A_76 = arith.constant 40 : i32
      %lt3A_77 = arith.cmpi slt, %add3A_75, %lt3A_76 : i32
      %convert_element_type3A_78 = arith.extui %lt3A_77 : i1 to i32
      %cond3A_79 = arith.constant 0 : i32
      %cond3A_80 = arith.cmpi ne, %convert_element_type3A_78, %cond3A_79 : i32
      scf.if %cond3A_80 {
        %add3A_82 = arith.constant 3 : i32
        %add3A_83 = arith.addi %mul3A_55, %add3A_82 : i32
        %dma_start3A_84 = arith.constant 0 : i32
        %dma_start3A_85 = tpu.memref_slice %arg7[%add3A_83, %dma_start3A_84] : memref<40x128xi32, #tpu.memory_space<vmem>> -> memref<1x128xi32, #tpu.memory_space<vmem>>
        %dma_start3A_86 = tpu.memref_squeeze %dma_start3A_85 : memref<1x128xi32, #tpu.memory_space<vmem>> -> memref<128xi32, #tpu.memory_space<vmem>>
        %dma_start3A_87 = arith.constant 0 : i32
        %dma_start3A_88 = arith.constant 0 : i32
        %dma_start3A_89 = tpu.memref_slice %arg2[%dma_start3A_87, %dma_start3A_88] : memref<10112x128xf32, #tpu.memory_space<hbm>> -> memref<10112x128xf32, #tpu.memory_space<hbm>>
        tpu.enqueue_indirect_dma source(%dma_start3A_89 : memref<10112x128xf32, #tpu.memory_space<hbm>>) target(%arg10 : memref<128x128xf32, #tpu.memory_space<vmem>>) offsets(%dma_start3A_86 : memref<128xi32, #tpu.memory_space<vmem>>) semaphore(%arg13 : memref<!tpu.dma_semaphore, #tpu.memory_space<semaphore_mem>>)
      } else {
      }
      %scan3A_81 = arith.constant 0 : i32
      scf.yield %scan3A_81 : i32
    }
    %scan3A_21 = arith.constant 20 : i32
    "tpu.region"() ({
      %run_scoped3A_52 = tpu.sem_alloc : memref<!tpu.dma_semaphore, #tpu.memory_space<semaphore_mem>>
      %dma_start3A_53 = arith.constant 0 : i32
      %dma_start3A_54 = arith.constant 0 : i32
      %dma_start3A_55 = tpu.memref_slice %arg7[%dma_start3A_53, %dma_start3A_54] : memref<40x128xi32, #tpu.memory_space<vmem>> -> memref<39x128xi32, #tpu.memory_space<vmem>>
      %dma_start3A_56 = arith.constant 40 : i32
      %dma_start3A_57 = arith.constant 0 : i32
      %dma_start3A_58 = tpu.memref_slice %arg3[%add3A, %dma_start3A_56, %dma_start3A_57] : memref<32x79x128xi32, #tpu.memory_space<hbm>> -> memref<1x39x128xi32, #tpu.memory_space<hbm>>
      %dma_start3A_59 = tpu.memref_squeeze %dma_start3A_58 : memref<1x39x128xi32, #tpu.memory_space<hbm>> -> memref<39x128xi32, #tpu.memory_space<hbm>>
      %dma_start3A_60 = arith.constant 0 : i32
      %dma_start3A_61 = arith.constant 0 : i32
      %dma_start3A_62 = tpu.memref_slice %arg7[%dma_start3A_60, %dma_start3A_61] : memref<40x128xi32, #tpu.memory_space<vmem>> -> memref<39x128xi32, #tpu.memory_space<vmem>>
      %dma_start3A_63 = arith.constant 40 : i32
      %dma_start3A_64 = arith.constant 0 : i32
      %dma_start3A_65 = tpu.memref_slice %arg3[%add3A, %dma_start3A_63, %dma_start3A_64] : memref<32x79x128xi32, #tpu.memory_space<hbm>> -> memref<1x39x128xi32, #tpu.memory_space<hbm>>
      %dma_start3A_66 = tpu.memref_squeeze %dma_start3A_65 : memref<1x39x128xi32, #tpu.memory_space<hbm>> -> memref<39x128xi32, #tpu.memory_space<hbm>>
      tpu.enqueue_dma source(%dma_start3A_66 : memref<39x128xi32, #tpu.memory_space<hbm>>) target(%dma_start3A_62 : memref<39x128xi32, #tpu.memory_space<vmem>>) target_semaphore(%run_scoped3A_52 : memref<!tpu.dma_semaphore, #tpu.memory_space<semaphore_mem>>)
      %dma_wait3A_67 = arith.constant 0 : i32
      %dma_wait3A_68 = arith.constant 0 : i32
      %dma_wait3A_69 = tpu.memref_slice %arg7[%dma_wait3A_67, %dma_wait3A_68] : memref<40x128xi32, #tpu.memory_space<vmem>> -> memref<39x128xi32, #tpu.memory_space<vmem>>
      %dma_wait3A_70 = arith.constant 40 : i32
      %dma_wait3A_71 = arith.constant 0 : i32
      %dma_wait3A_72 = tpu.memref_slice %arg3[%add3A, %dma_wait3A_70, %dma_wait3A_71] : memref<32x79x128xi32, #tpu.memory_space<hbm>> -> memref<1x39x128xi32, #tpu.memory_space<hbm>>
      %dma_wait3A_73 = tpu.memref_squeeze %dma_wait3A_72 : memref<1x39x128xi32, #tpu.memory_space<hbm>> -> memref<39x128xi32, #tpu.memory_space<hbm>>
      %dma_wait3A_74 = arith.constant 0 : i32
      %dma_wait3A_75 = arith.constant 0 : i32
      %dma_wait3A_76 = tpu.memref_slice %arg7[%dma_wait3A_74, %dma_wait3A_75] : memref<40x128xi32, #tpu.memory_space<vmem>> -> memref<39x128xi32, #tpu.memory_space<vmem>>
      %dma_wait3A_77 = arith.constant 40 : i32
      %dma_wait3A_78 = arith.constant 0 : i32
      %dma_wait3A_79 = tpu.memref_slice %arg3[%add3A, %dma_wait3A_77, %dma_wait3A_78] : memref<32x79x128xi32, #tpu.memory_space<hbm>> -> memref<1x39x128xi32, #tpu.memory_space<hbm>>
      %dma_wait3A_80 = tpu.memref_squeeze %dma_wait3A_79 : memref<1x39x128xi32, #tpu.memory_space<hbm>> -> memref<39x128xi32, #tpu.memory_space<hbm>>
      tpu.wait_dma2 semaphore(%run_scoped3A_52 : memref<!tpu.dma_semaphore, #tpu.memory_space<semaphore_mem>>) src(%dma_wait3A_80 : memref<39x128xi32, #tpu.memory_space<hbm>>) dst(%dma_wait3A_76 : memref<39x128xi32, #tpu.memory_space<vmem>>)
      tpu.yield
    }) : () -> ()
    "tpu.region"() ({
      %run_scoped3A_52 = tpu.sem_alloc : memref<!tpu.dma_semaphore, #tpu.memory_space<semaphore_mem>>
      %dma_start3A_53 = arith.constant 0 : i32
      %dma_start3A_54 = arith.constant 0 : i32
      %dma_start3A_55 = tpu.memref_slice %arg8[%dma_start3A_53, %dma_start3A_54] : memref<40x128xi32, #tpu.memory_space<vmem>> -> memref<39x128xi32, #tpu.memory_space<vmem>>
      %dma_start3A_56 = arith.constant 40 : i32
      %dma_start3A_57 = arith.constant 0 : i32
      %dma_start3A_58 = tpu.memref_slice %arg4[%add3A, %dma_start3A_56, %dma_start3A_57] : memref<32x79x128xi32, #tpu.memory_space<hbm>> -> memref<1x39x128xi32, #tpu.memory_space<hbm>>
      %dma_start3A_59 = tpu.memref_squeeze %dma_start3A_58 : memref<1x39x128xi32, #tpu.memory_space<hbm>> -> memref<39x128xi32, #tpu.memory_space<hbm>>
      %dma_start3A_60 = arith.constant 0 : i32
      %dma_start3A_61 = arith.constant 0 : i32
      %dma_start3A_62 = tpu.memref_slice %arg8[%dma_start3A_60, %dma_start3A_61] : memref<40x128xi32, #tpu.memory_space<vmem>> -> memref<39x128xi32, #tpu.memory_space<vmem>>
      %dma_start3A_63 = arith.constant 40 : i32
      %dma_start3A_64 = arith.constant 0 : i32
      %dma_start3A_65 = tpu.memref_slice %arg4[%add3A, %dma_start3A_63, %dma_start3A_64] : memref<32x79x128xi32, #tpu.memory_space<hbm>> -> memref<1x39x128xi32, #tpu.memory_space<hbm>>
      %dma_start3A_66 = tpu.memref_squeeze %dma_start3A_65 : memref<1x39x128xi32, #tpu.memory_space<hbm>> -> memref<39x128xi32, #tpu.memory_space<hbm>>
      tpu.enqueue_dma source(%dma_start3A_66 : memref<39x128xi32, #tpu.memory_space<hbm>>) target(%dma_start3A_62 : memref<39x128xi32, #tpu.memory_space<vmem>>) target_semaphore(%run_scoped3A_52 : memref<!tpu.dma_semaphore, #tpu.memory_space<semaphore_mem>>)
      %dma_wait3A_67 = arith.constant 0 : i32
      %dma_wait3A_68 = arith.constant 0 : i32
      %dma_wait3A_69 = tpu.memref_slice %arg8[%dma_wait3A_67, %dma_wait3A_68] : memref<40x128xi32, #tpu.memory_space<vmem>> -> memref<39x128xi32, #tpu.memory_space<vmem>>
      %dma_wait3A_70 = arith.constant 40 : i32
      %dma_wait3A_71 = arith.constant 0 : i32
      %dma_wait3A_72 = tpu.memref_slice %arg4[%add3A, %dma_wait3A_70, %dma_wait3A_71] : memref<32x79x128xi32, #tpu.memory_space<hbm>> -> memref<1x39x128xi32, #tpu.memory_space<hbm>>
      %dma_wait3A_73 = tpu.memref_squeeze %dma_wait3A_72 : memref<1x39x128xi32, #tpu.memory_space<hbm>> -> memref<39x128xi32, #tpu.memory_space<hbm>>
      %dma_wait3A_74 = arith.constant 0 : i32
      %dma_wait3A_75 = arith.constant 0 : i32
      %dma_wait3A_76 = tpu.memref_slice %arg8[%dma_wait3A_74, %dma_wait3A_75] : memref<40x128xi32, #tpu.memory_space<vmem>> -> memref<39x128xi32, #tpu.memory_space<vmem>>
      %dma_wait3A_77 = arith.constant 40 : i32
      %dma_wait3A_78 = arith.constant 0 : i32
      %dma_wait3A_79 = tpu.memref_slice %arg4[%add3A, %dma_wait3A_77, %dma_wait3A_78] : memref<32x79x128xi32, #tpu.memory_space<hbm>> -> memref<1x39x128xi32, #tpu.memory_space<hbm>>
      %dma_wait3A_80 = tpu.memref_squeeze %dma_wait3A_79 : memref<1x39x128xi32, #tpu.memory_space<hbm>> -> memref<39x128xi32, #tpu.memory_space<hbm>>
      tpu.wait_dma2 semaphore(%run_scoped3A_52 : memref<!tpu.dma_semaphore, #tpu.memory_space<semaphore_mem>>) src(%dma_wait3A_80 : memref<39x128xi32, #tpu.memory_space<hbm>>) dst(%dma_wait3A_76 : memref<39x128xi32, #tpu.memory_space<vmem>>)
      tpu.yield
    }) : () -> ()
    %dma_start3A_22 = arith.constant 0 : i32
    %dma_start3A_23 = arith.constant 0 : i32
    %dma_start3A_24 = tpu.memref_slice %arg7[%dma_start3A_22, %dma_start3A_23] : memref<40x128xi32, #tpu.memory_space<vmem>> -> memref<1x128xi32, #tpu.memory_space<vmem>>
    %dma_start3A_25 = tpu.memref_squeeze %dma_start3A_24 : memref<1x128xi32, #tpu.memory_space<vmem>> -> memref<128xi32, #tpu.memory_space<vmem>>
    %dma_start3A_26 = arith.constant 0 : i32
    %dma_start3A_27 = arith.constant 0 : i32
    %dma_start3A_28 = tpu.memref_slice %arg2[%dma_start3A_26, %dma_start3A_27] : memref<10112x128xf32, #tpu.memory_space<hbm>> -> memref<10112x128xf32, #tpu.memory_space<hbm>>
    tpu.enqueue_indirect_dma source(%dma_start3A_28 : memref<10112x128xf32, #tpu.memory_space<hbm>>) target(%arg9 : memref<128x128xf32, #tpu.memory_space<vmem>>) offsets(%dma_start3A_25 : memref<128xi32, #tpu.memory_space<vmem>>) semaphore(%arg12 : memref<!tpu.dma_semaphore, #tpu.memory_space<semaphore_mem>>)
    %dma_start3A_29 = arith.constant 1 : i32
    %dma_start3A_30 = arith.constant 0 : i32
    %dma_start3A_31 = tpu.memref_slice %arg7[%dma_start3A_29, %dma_start3A_30] : memref<40x128xi32, #tpu.memory_space<vmem>> -> memref<1x128xi32, #tpu.memory_space<vmem>>
    %dma_start3A_32 = tpu.memref_squeeze %dma_start3A_31 : memref<1x128xi32, #tpu.memory_space<vmem>> -> memref<128xi32, #tpu.memory_space<vmem>>
    %dma_start3A_33 = arith.constant 0 : i32
    %dma_start3A_34 = arith.constant 0 : i32
    %dma_start3A_35 = tpu.memref_slice %arg2[%dma_start3A_33, %dma_start3A_34] : memref<10112x128xf32, #tpu.memory_space<hbm>> -> memref<10112x128xf32, #tpu.memory_space<hbm>>
    tpu.enqueue_indirect_dma source(%dma_start3A_35 : memref<10112x128xf32, #tpu.memory_space<hbm>>) target(%arg10 : memref<128x128xf32, #tpu.memory_space<vmem>>) offsets(%dma_start3A_32 : memref<128xi32, #tpu.memory_space<vmem>>) semaphore(%arg13 : memref<!tpu.dma_semaphore, #tpu.memory_space<semaphore_mem>>)
    %scan3A_36 = arith.constant 0 : i32
    %scan3A_37 = arith.constant 0 : i32
    %scan3A_38 = arith.constant 19 : i32
    %scan3A_39 = arith.addi %scan3A_37, %scan3A_38 : i32
    %scan3A_40 = arith.constant 1 : i32
    %scan3A_41 = scf.for %scan3A_52 = %scan3A_37 to %scan3A_39 step %scan3A_40 iter_args(%scan3A_53 = %scan3A_36) -> (i32)  : i32 {
      %mul3A_54 = arith.constant 2 : i32
      %mul3A_55 = arith.muli %mul3A_54, %scan3A_52 : i32
      %dma_wait3A_56 = arith.constant 0 : i32
      %dma_wait3A_57 = arith.constant 0 : i32
      %dma_wait3A_58 = tpu.memref_slice %arg2[%dma_wait3A_56, %dma_wait3A_57] : memref<10112x128xf32, #tpu.memory_space<hbm>> -> memref<128x128xf32, #tpu.memory_space<hbm>>
      %dma_wait3A_59 = arith.constant 0 : i32
      %dma_wait3A_60 = arith.constant 0 : i32
      %dma_wait3A_61 = tpu.memref_slice %arg2[%dma_wait3A_59, %dma_wait3A_60] : memref<10112x128xf32, #tpu.memory_space<hbm>> -> memref<128x128xf32, #tpu.memory_space<hbm>>
      tpu.wait_dma2 semaphore(%arg12 : memref<!tpu.dma_semaphore, #tpu.memory_space<semaphore_mem>>) src(%dma_wait3A_61 : memref<128x128xf32, #tpu.memory_space<hbm>>) dst(%arg9 : memref<128x128xf32, #tpu.memory_space<vmem>>)
      "tpu.region"() ({
        %run_scoped3A_82 = tpu.sem_alloc : memref<!tpu.dma_semaphore, #tpu.memory_space<semaphore_mem>>
        %dma_start3A_83 = arith.constant 0 : i32
        %dma_start3A_84 = tpu.memref_slice %arg8[%mul3A_55, %dma_start3A_83] : memref<40x128xi32, #tpu.memory_space<vmem>> -> memref<1x128xi32, #tpu.memory_space<vmem>>
        %dma_start3A_85 = tpu.memref_squeeze %dma_start3A_84 : memref<1x128xi32, #tpu.memory_space<vmem>> -> memref<128xi32, #tpu.memory_space<vmem>>
        %dma_start3A_86 = arith.constant 0 : i32
        %dma_start3A_87 = arith.constant 0 : i32
        %dma_start3A_88 = tpu.memref_slice %arg11[%dma_start3A_86, %dma_start3A_87] : memref<10112x128xf32, #tpu.memory_space<vmem_shared>> -> memref<10112x128xf32, #tpu.memory_space<vmem_shared>>
        tpu.enqueue_indirect_dma source(%arg9 : memref<128x128xf32, #tpu.memory_space<vmem>>) target(%dma_start3A_88 : memref<10112x128xf32, #tpu.memory_space<vmem_shared>>) offsets(%dma_start3A_85 : memref<128xi32, #tpu.memory_space<vmem>>) semaphore(%run_scoped3A_82 : memref<!tpu.dma_semaphore, #tpu.memory_space<semaphore_mem>>) {add = true}
        %dma_wait3A_89 = arith.constant 0 : i32
        %dma_wait3A_90 = tpu.memref_slice %arg8[%mul3A_55, %dma_wait3A_89] : memref<40x128xi32, #tpu.memory_space<vmem>> -> memref<1x128xi32, #tpu.memory_space<vmem>>
        %dma_wait3A_91 = tpu.memref_squeeze %dma_wait3A_90 : memref<1x128xi32, #tpu.memory_space<vmem>> -> memref<128xi32, #tpu.memory_space<vmem>>
        %dma_wait3A_92 = arith.constant 0 : i32
        %dma_wait3A_93 = arith.constant 0 : i32
        %dma_wait3A_94 = tpu.memref_slice %arg11[%dma_wait3A_92, %dma_wait3A_93] : memref<10112x128xf32, #tpu.memory_space<vmem_shared>> -> memref<10112x128xf32, #tpu.memory_space<vmem_shared>>
        tpu.wait_indirect_dma semaphore(%run_scoped3A_82 : memref<!tpu.dma_semaphore, #tpu.memory_space<semaphore_mem>>) src(%arg9 : memref<128x128xf32, #tpu.memory_space<vmem>>) dst(%dma_wait3A_94 : memref<10112x128xf32, #tpu.memory_space<vmem_shared>>)
        tpu.yield
      }) : () -> ()
      %add3A_62 = arith.constant 2 : i32
      %add3A_63 = arith.addi %mul3A_55, %add3A_62 : i32
      %lt3A = arith.constant 39 : i32
      %lt3A_64 = arith.cmpi slt, %add3A_63, %lt3A : i32
      %convert_element_type3A = arith.extui %lt3A_64 : i1 to i32
      %cond3A = arith.constant 0 : i32
      %cond3A_65 = arith.cmpi ne, %convert_element_type3A, %cond3A : i32
      scf.if %cond3A_65 {
        %add3A_82 = arith.constant 2 : i32
        %add3A_83 = arith.addi %mul3A_55, %add3A_82 : i32
        %dma_start3A_84 = arith.constant 0 : i32
        %dma_start3A_85 = tpu.memref_slice %arg7[%add3A_83, %dma_start3A_84] : memref<40x128xi32, #tpu.memory_space<vmem>> -> memref<1x128xi32, #tpu.memory_space<vmem>>
        %dma_start3A_86 = tpu.memref_squeeze %dma_start3A_85 : memref<1x128xi32, #tpu.memory_space<vmem>> -> memref<128xi32, #tpu.memory_space<vmem>>
        %dma_start3A_87 = arith.constant 0 : i32
        %dma_start3A_88 = arith.constant 0 : i32
        %dma_start3A_89 = tpu.memref_slice %arg2[%dma_start3A_87, %dma_start3A_88] : memref<10112x128xf32, #tpu.memory_space<hbm>> -> memref<10112x128xf32, #tpu.memory_space<hbm>>
        tpu.enqueue_indirect_dma source(%dma_start3A_89 : memref<10112x128xf32, #tpu.memory_space<hbm>>) target(%arg9 : memref<128x128xf32, #tpu.memory_space<vmem>>) offsets(%dma_start3A_86 : memref<128xi32, #tpu.memory_space<vmem>>) semaphore(%arg12 : memref<!tpu.dma_semaphore, #tpu.memory_space<semaphore_mem>>)
      } else {
      }
      %dma_wait3A_66 = arith.constant 0 : i32
      %dma_wait3A_67 = arith.constant 0 : i32
      %dma_wait3A_68 = tpu.memref_slice %arg2[%dma_wait3A_66, %dma_wait3A_67] : memref<10112x128xf32, #tpu.memory_space<hbm>> -> memref<128x128xf32, #tpu.memory_space<hbm>>
      %dma_wait3A_69 = arith.constant 0 : i32
      %dma_wait3A_70 = arith.constant 0 : i32
      %dma_wait3A_71 = tpu.memref_slice %arg2[%dma_wait3A_69, %dma_wait3A_70] : memref<10112x128xf32, #tpu.memory_space<hbm>> -> memref<128x128xf32, #tpu.memory_space<hbm>>
      tpu.wait_dma2 semaphore(%arg13 : memref<!tpu.dma_semaphore, #tpu.memory_space<semaphore_mem>>) src(%dma_wait3A_71 : memref<128x128xf32, #tpu.memory_space<hbm>>) dst(%arg10 : memref<128x128xf32, #tpu.memory_space<vmem>>)
      %add3A_72 = arith.constant 1 : i32
      %add3A_73 = arith.addi %mul3A_55, %add3A_72 : i32
      "tpu.region"() ({
        %run_scoped3A_82 = tpu.sem_alloc : memref<!tpu.dma_semaphore, #tpu.memory_space<semaphore_mem>>
        %dma_start3A_83 = arith.constant 0 : i32
        %dma_start3A_84 = tpu.memref_slice %arg8[%add3A_73, %dma_start3A_83] : memref<40x128xi32, #tpu.memory_space<vmem>> -> memref<1x128xi32, #tpu.memory_space<vmem>>
        %dma_start3A_85 = tpu.memref_squeeze %dma_start3A_84 : memref<1x128xi32, #tpu.memory_space<vmem>> -> memref<128xi32, #tpu.memory_space<vmem>>
        %dma_start3A_86 = arith.constant 0 : i32
        %dma_start3A_87 = arith.constant 0 : i32
        %dma_start3A_88 = tpu.memref_slice %arg11[%dma_start3A_86, %dma_start3A_87] : memref<10112x128xf32, #tpu.memory_space<vmem_shared>> -> memref<10112x128xf32, #tpu.memory_space<vmem_shared>>
        tpu.enqueue_indirect_dma source(%arg10 : memref<128x128xf32, #tpu.memory_space<vmem>>) target(%dma_start3A_88 : memref<10112x128xf32, #tpu.memory_space<vmem_shared>>) offsets(%dma_start3A_85 : memref<128xi32, #tpu.memory_space<vmem>>) semaphore(%run_scoped3A_82 : memref<!tpu.dma_semaphore, #tpu.memory_space<semaphore_mem>>) {add = true}
        %dma_wait3A_89 = arith.constant 0 : i32
        %dma_wait3A_90 = tpu.memref_slice %arg8[%add3A_73, %dma_wait3A_89] : memref<40x128xi32, #tpu.memory_space<vmem>> -> memref<1x128xi32, #tpu.memory_space<vmem>>
        %dma_wait3A_91 = tpu.memref_squeeze %dma_wait3A_90 : memref<1x128xi32, #tpu.memory_space<vmem>> -> memref<128xi32, #tpu.memory_space<vmem>>
        %dma_wait3A_92 = arith.constant 0 : i32
        %dma_wait3A_93 = arith.constant 0 : i32
        %dma_wait3A_94 = tpu.memref_slice %arg11[%dma_wait3A_92, %dma_wait3A_93] : memref<10112x128xf32, #tpu.memory_space<vmem_shared>> -> memref<10112x128xf32, #tpu.memory_space<vmem_shared>>
        tpu.wait_indirect_dma semaphore(%run_scoped3A_82 : memref<!tpu.dma_semaphore, #tpu.memory_space<semaphore_mem>>) src(%arg10 : memref<128x128xf32, #tpu.memory_space<vmem>>) dst(%dma_wait3A_94 : memref<10112x128xf32, #tpu.memory_space<vmem_shared>>)
        tpu.yield
      }) : () -> ()
      %add3A_74 = arith.constant 3 : i32
      %add3A_75 = arith.addi %mul3A_55, %add3A_74 : i32
      %lt3A_76 = arith.constant 39 : i32
      %lt3A_77 = arith.cmpi slt, %add3A_75, %lt3A_76 : i32
      %convert_element_type3A_78 = arith.extui %lt3A_77 : i1 to i32
      %cond3A_79 = arith.constant 0 : i32
      %cond3A_80 = arith.cmpi ne, %convert_element_type3A_78, %cond3A_79 : i32
      scf.if %cond3A_80 {
        %add3A_82 = arith.constant 3 : i32
        %add3A_83 = arith.addi %mul3A_55, %add3A_82 : i32
        %dma_start3A_84 = arith.constant 0 : i32
        %dma_start3A_85 = tpu.memref_slice %arg7[%add3A_83, %dma_start3A_84] : memref<40x128xi32, #tpu.memory_space<vmem>> -> memref<1x128xi32, #tpu.memory_space<vmem>>
        %dma_start3A_86 = tpu.memref_squeeze %dma_start3A_85 : memref<1x128xi32, #tpu.memory_space<vmem>> -> memref<128xi32, #tpu.memory_space<vmem>>
        %dma_start3A_87 = arith.constant 0 : i32
        %dma_start3A_88 = arith.constant 0 : i32
        %dma_start3A_89 = tpu.memref_slice %arg2[%dma_start3A_87, %dma_start3A_88] : memref<10112x128xf32, #tpu.memory_space<hbm>> -> memref<10112x128xf32, #tpu.memory_space<hbm>>
        tpu.enqueue_indirect_dma source(%dma_start3A_89 : memref<10112x128xf32, #tpu.memory_space<hbm>>) target(%arg10 : memref<128x128xf32, #tpu.memory_space<vmem>>) offsets(%dma_start3A_86 : memref<128xi32, #tpu.memory_space<vmem>>) semaphore(%arg13 : memref<!tpu.dma_semaphore, #tpu.memory_space<semaphore_mem>>)
      } else {
      }
      %scan3A_81 = arith.constant 0 : i32
      scf.yield %scan3A_81 : i32
    }
    %scan3A_42 = arith.constant 19 : i32
    %dma_wait3A = arith.constant 0 : i32
    %dma_wait3A_43 = arith.constant 0 : i32
    %dma_wait3A_44 = tpu.memref_slice %arg2[%dma_wait3A, %dma_wait3A_43] : memref<10112x128xf32, #tpu.memory_space<hbm>> -> memref<128x128xf32, #tpu.memory_space<hbm>>
    %dma_wait3A_45 = arith.constant 0 : i32
    %dma_wait3A_46 = arith.constant 0 : i32
    %dma_wait3A_47 = tpu.memref_slice %arg2[%dma_wait3A_45, %dma_wait3A_46] : memref<10112x128xf32, #tpu.memory_space<hbm>> -> memref<128x128xf32, #tpu.memory_space<hbm>>
    tpu.wait_dma2 semaphore(%arg12 : memref<!tpu.dma_semaphore, #tpu.memory_space<semaphore_mem>>) src(%dma_wait3A_47 : memref<128x128xf32, #tpu.memory_space<hbm>>) dst(%arg9 : memref<128x128xf32, #tpu.memory_space<vmem>>)
    %run_scoped3A = arith.constant 38 : i32
    "tpu.region"() ({
      %run_scoped3A_52 = tpu.sem_alloc : memref<!tpu.dma_semaphore, #tpu.memory_space<semaphore_mem>>
      %dma_start3A_53 = arith.constant 0 : i32
      %dma_start3A_54 = tpu.memref_slice %arg8[%run_scoped3A, %dma_start3A_53] : memref<40x128xi32, #tpu.memory_space<vmem>> -> memref<1x128xi32, #tpu.memory_space<vmem>>
      %dma_start3A_55 = tpu.memref_squeeze %dma_start3A_54 : memref<1x128xi32, #tpu.memory_space<vmem>> -> memref<128xi32, #tpu.memory_space<vmem>>
      %dma_start3A_56 = arith.constant 0 : i32
      %dma_start3A_57 = arith.constant 0 : i32
      %dma_start3A_58 = tpu.memref_slice %arg11[%dma_start3A_56, %dma_start3A_57] : memref<10112x128xf32, #tpu.memory_space<vmem_shared>> -> memref<10112x128xf32, #tpu.memory_space<vmem_shared>>
      tpu.enqueue_indirect_dma source(%arg9 : memref<128x128xf32, #tpu.memory_space<vmem>>) target(%dma_start3A_58 : memref<10112x128xf32, #tpu.memory_space<vmem_shared>>) offsets(%dma_start3A_55 : memref<128xi32, #tpu.memory_space<vmem>>) semaphore(%run_scoped3A_52 : memref<!tpu.dma_semaphore, #tpu.memory_space<semaphore_mem>>) {add = true}
      %dma_wait3A_59 = arith.constant 0 : i32
      %dma_wait3A_60 = tpu.memref_slice %arg8[%run_scoped3A, %dma_wait3A_59] : memref<40x128xi32, #tpu.memory_space<vmem>> -> memref<1x128xi32, #tpu.memory_space<vmem>>
      %dma_wait3A_61 = tpu.memref_squeeze %dma_wait3A_60 : memref<1x128xi32, #tpu.memory_space<vmem>> -> memref<128xi32, #tpu.memory_space<vmem>>
      %dma_wait3A_62 = arith.constant 0 : i32
      %dma_wait3A_63 = arith.constant 0 : i32
      %dma_wait3A_64 = tpu.memref_slice %arg11[%dma_wait3A_62, %dma_wait3A_63] : memref<10112x128xf32, #tpu.memory_space<vmem_shared>> -> memref<10112x128xf32, #tpu.memory_space<vmem_shared>>
      tpu.wait_indirect_dma semaphore(%run_scoped3A_52 : memref<!tpu.dma_semaphore, #tpu.memory_space<semaphore_mem>>) src(%arg9 : memref<128x128xf32, #tpu.memory_space<vmem>>) dst(%dma_wait3A_64 : memref<10112x128xf32, #tpu.memory_space<vmem_shared>>)
      tpu.yield
    }) : () -> ()
    %barrier3A_48 = arith.constant 0 : index
    tpu.barrier barrier_id(%barrier3A_48)
    %mul3A_49 = arith.constant 10112 : i32
    %mul3A_50 = arith.muli %arg0, %mul3A_49 : i32
    %add3A_51 = arith.addi %mul3A_50, %mul3A_2 : i32
    "tpu.region"() ({
      %run_scoped3A_52 = tpu.sem_alloc : memref<!tpu.dma_semaphore, #tpu.memory_space<semaphore_mem>>
      %dma_start3A_53 = arith.constant 0 : i32
      %dma_start3A_54 = tpu.memref_slice %arg6[%add3A_51, %dma_start3A_53] : memref<20224x128xf32, #tpu.memory_space<hbm>> -> memref<632x128xf32, #tpu.memory_space<hbm>>
      %dma_start3A_55 = arith.constant 0 : i32
      %dma_start3A_56 = tpu.memref_slice %arg11[%mul3A_2, %dma_start3A_55] : memref<10112x128xf32, #tpu.memory_space<vmem_shared>> -> memref<632x128xf32, #tpu.memory_space<vmem_shared>>
      tpu.enqueue_dma source(%dma_start3A_56 : memref<632x128xf32, #tpu.memory_space<vmem_shared>>) target(%dma_start3A_54 : memref<632x128xf32, #tpu.memory_space<hbm>>) target_semaphore(%run_scoped3A_52 : memref<!tpu.dma_semaphore, #tpu.memory_space<semaphore_mem>>)
      %dma_wait3A_57 = arith.constant 0 : i32
      %dma_wait3A_58 = tpu.memref_slice %arg6[%add3A_51, %dma_wait3A_57] : memref<20224x128xf32, #tpu.memory_space<hbm>> -> memref<632x128xf32, #tpu.memory_space<hbm>>
      %dma_wait3A_59 = arith.constant 0 : i32
      %dma_wait3A_60 = tpu.memref_slice %arg11[%mul3A_2, %dma_wait3A_59] : memref<10112x128xf32, #tpu.memory_space<vmem_shared>> -> memref<632x128xf32, #tpu.memory_space<vmem_shared>>
      tpu.wait_dma2 semaphore(%run_scoped3A_52 : memref<!tpu.dma_semaphore, #tpu.memory_space<semaphore_mem>>) src(%dma_wait3A_60 : memref<632x128xf32, #tpu.memory_space<vmem_shared>>) dst(%dma_wait3A_58 : memref<632x128xf32, #tpu.memory_space<hbm>>)
      tpu.yield
    }) : () -> ()
    return
  }
}

module attributes {stable_mosaic.version = 14 : i64} {
  func.func @body(%arg0: i32, %arg1: memref<632x128xf32, #tpu.memory_space<vmem>>, %arg2: memref<128x128xf32, #tpu.memory_space<vmem>>, %arg3: memref<632x128xf32, #tpu.memory_space<vmem>>, %arg4: memref<632x128xf32, #tpu.memory_space<vmem>>, %arg5: memref<632x128xf32, #tpu.memory_space<vmem>>, %arg6: memref<632x128xf32, #tpu.memory_space<vmem>>, %arg7: memref<632x128xf32, #tpu.memory_space<vmem>>) attributes {dimension_semantics = [#tpu.dimension_semantics<arbitrary>], iteration_bounds = array<i64: 16>, scalar_prefetch = 0 : i64, scratch_operands = 0 : i64, tpu.core_type = #tpu.core_type<tc>, window_params = [{transform_indices = @transform_0, window_bounds = array<i64: 632, 128>}, {pipeline_mode = #tpu.pipeline_mode<synchronous>, transform_indices = @transform_1, window_bounds = array<i64: 128, 128>}, {transform_indices = @transform_2, window_bounds = array<i64: 632, 128>}, {transform_indices = @transform_3, window_bounds = array<i64: 632, 128>}, {transform_indices = @transform_4, window_bounds = array<i64: 632, 128>}, {transform_indices = @transform_5, window_bounds = array<i64: 632, 128>}, {transform_indices = @transform_6, window_bounds = array<i64: 632, 128>}]} {
    %get3A = arith.constant 0 : index
    %get3A_0 = arith.constant 0 : index
    %get3A_1 = vector.load %arg3[%get3A, %get3A_0] : memref<632x128xf32, #tpu.memory_space<vmem>>, vector<632x128xf32>
    %get3A_2 = arith.constant 0 : index
    %get3A_3 = arith.constant 0 : index
    %get3A_4 = vector.load %arg4[%get3A_2, %get3A_3] : memref<632x128xf32, #tpu.memory_space<vmem>>, vector<632x128xf32>
    %add3A = arith.addf %get3A_1, %get3A_4 : vector<632x128xf32>
    %add3A_5 = arith.constant 1.000000e+00 : f32
    %add3A_6 = vector.broadcast %add3A_5 : f32 to vector<632x128xf32>
    %add3A_7 = arith.addf %add3A, %add3A_6 : vector<632x128xf32>
    %rsqrt3A = math.rsqrt %add3A_7 : vector<632x128xf32>
    %get3A_8 = arith.constant 0 : index
    %get3A_9 = arith.constant 0 : index
    %get3A_10 = vector.load %arg1[%get3A_8, %get3A_9] : memref<632x128xf32, #tpu.memory_space<vmem>>, vector<632x128xf32>
    %get3A_11 = arith.constant 0 : index
    %get3A_12 = arith.constant 0 : index
    %get3A_13 = vector.load %arg2[%get3A_11, %get3A_12] : memref<128x128xf32, #tpu.memory_space<vmem>>, vector<128x128xf32>
    %dot_general3A = arith.constant dense<0.000000e+00> : vector<632x128xf32>
    %dot_general3A_14 = tpu.matmul %get3A_10, %get3A_13, %dot_general3A {dimension_numbers = #tpu.dot_dimension_numbers<[1], [0], [0], [1], [0, 0, 1, 1], [], []>, transpose_lhs_hint = false} : vector<632x128xf32>, vector<128x128xf32>, vector<632x128xf32> -> vector<632x128xf32>
    %swap3A = arith.constant 0 : index
    %swap3A_15 = arith.constant 0 : index
    %swap3A_16 = vector.load %arg5[%swap3A, %swap3A_15] : memref<632x128xf32, #tpu.memory_space<vmem>>, vector<632x128xf32>
    tpu.vector_store %arg5[%swap3A, %swap3A_15], %dot_general3A_14 {strides = array<i32>} : memref<632x128xf32, #tpu.memory_space<vmem>>, vector<632x128xf32>,
    %mul3A = arith.mulf %dot_general3A_14, %rsqrt3A : vector<632x128xf32>
    %swap3A_17 = arith.constant 0 : index
    %swap3A_18 = arith.constant 0 : index
    %swap3A_19 = vector.load %arg6[%swap3A_17, %swap3A_18] : memref<632x128xf32, #tpu.memory_space<vmem>>, vector<632x128xf32>
    tpu.vector_store %arg6[%swap3A_17, %swap3A_18], %mul3A {strides = array<i32>} : memref<632x128xf32, #tpu.memory_space<vmem>>, vector<632x128xf32>,
    %swap3A_20 = arith.constant 0 : index
    %swap3A_21 = arith.constant 0 : index
    %swap3A_22 = vector.load %arg7[%swap3A_20, %swap3A_21] : memref<632x128xf32, #tpu.memory_space<vmem>>, vector<632x128xf32>
    tpu.vector_store %arg7[%swap3A_20, %swap3A_21], %rsqrt3A {strides = array<i32>} : memref<632x128xf32, #tpu.memory_space<vmem>>, vector<632x128xf32>,
    return
  }
  func.func @transform_0(%arg0: i32) -> (i32, i32) {
    %c0_i32 = arith.constant 0 : i32
    %c0_i32_0 = arith.constant 0 : i32
    return %arg0, %c0_i32 : i32, i32
  }
  func.func @transform_1(%arg0: i32) -> (i32, i32) {
    %c0_i32 = arith.constant 0 : i32
    %c0_i32_0 = arith.constant 0 : i32
    %c0_i32_1 = arith.constant 0 : i32
    return %c0_i32, %c0_i32_0 : i32, i32
  }
  func.func @transform_2(%arg0: i32) -> (i32, i32) {
    %c0_i32 = arith.constant 0 : i32
    %c0_i32_0 = arith.constant 0 : i32
    return %arg0, %c0_i32 : i32, i32
  }
  func.func @transform_3(%arg0: i32) -> (i32, i32) {
    %add3A = arith.constant 16 : i32
    %add3A_0 = arith.addi %arg0, %add3A : i32
    %c0_i32 = arith.constant 0 : i32
    %c0_i32_1 = arith.constant 0 : i32
    return %add3A_0, %c0_i32 : i32, i32
  }
  func.func @transform_4(%arg0: i32) -> (i32, i32) {
    %c0_i32 = arith.constant 0 : i32
    %c0_i32_0 = arith.constant 0 : i32
    return %arg0, %c0_i32 : i32, i32
  }
  func.func @transform_5(%arg0: i32) -> (i32, i32) {
    %c0_i32 = arith.constant 0 : i32
    %c0_i32_0 = arith.constant 0 : i32
    return %arg0, %c0_i32 : i32, i32
  }
  func.func @transform_6(%arg0: i32) -> (i32, i32) {
    %c0_i32 = arith.constant 0 : i32
    %c0_i32_0 = arith.constant 0 : i32
    return %arg0, %c0_i32 : i32, i32
  }
}

module attributes {stable_mosaic.version = 14 : i64} {
  func.func @body(%arg0: i32, %arg1: memref<632x128xf32, #tpu.memory_space<vmem>>, %arg2: memref<632x128xf32, #tpu.memory_space<vmem>>, %arg3: memref<632x128xf32, #tpu.memory_space<vmem>>, %arg4: memref<632x128xf32, #tpu.memory_space<vmem>>, %arg5: memref<128x128xf32, #tpu.memory_space<vmem>>, %arg6: memref<1x128xf32, #tpu.memory_space<vmem>>, %arg7: memref<632x128xf32, #tpu.memory_space<vmem>>, %arg8: memref<632x128xf32, #tpu.memory_space<vmem>>) attributes {dimension_semantics = [#tpu.dimension_semantics<arbitrary>], iteration_bounds = array<i64: 16>, scalar_prefetch = 0 : i64, scratch_operands = 0 : i64, tpu.core_type = #tpu.core_type<tc>, window_params = [{transform_indices = @transform_0, window_bounds = array<i64: 632, 128>}, {transform_indices = @transform_1, window_bounds = array<i64: 632, 128>}, {transform_indices = @transform_2, window_bounds = array<i64: 632, 128>}, {transform_indices = @transform_3, window_bounds = array<i64: 632, 128>}, {pipeline_mode = #tpu.pipeline_mode<synchronous>, transform_indices = @transform_4, window_bounds = array<i64: 128, 128>}, {pipeline_mode = #tpu.pipeline_mode<synchronous>, transform_indices = @transform_5, window_bounds = array<i64: 1, 128>}, {transform_indices = @transform_6, window_bounds = array<i64: 632, 128>}, {transform_indices = @transform_7, window_bounds = array<i64: 632, 128>}]} {
    %get3A = arith.constant 0 : index
    %get3A_0 = arith.constant 0 : index
    %get3A_1 = vector.load %arg4[%get3A, %get3A_0] : memref<632x128xf32, #tpu.memory_space<vmem>>, vector<632x128xf32>
    %get3A_2 = arith.constant 0 : index
    %get3A_3 = arith.constant 0 : index
    %get3A_4 = vector.load %arg1[%get3A_2, %get3A_3] : memref<632x128xf32, #tpu.memory_space<vmem>>, vector<632x128xf32>
    %get3A_5 = arith.constant 0 : index
    %get3A_6 = arith.constant 0 : index
    %get3A_7 = vector.load %arg2[%get3A_5, %get3A_6] : memref<632x128xf32, #tpu.memory_space<vmem>>, vector<632x128xf32>
    %add3A = arith.addf %get3A_4, %get3A_7 : vector<632x128xf32>
    %mul3A = arith.mulf %add3A, %get3A_1 : vector<632x128xf32>
    %get3A_8 = arith.constant 0 : index
    %get3A_9 = arith.constant 0 : index
    %get3A_10 = vector.load %arg3[%get3A_8, %get3A_9] : memref<632x128xf32, #tpu.memory_space<vmem>>, vector<632x128xf32>
    %mul3A_11 = arith.mulf %get3A_1, %get3A_1 : vector<632x128xf32>
    %mul3A_12 = arith.mulf %get3A_10, %mul3A_11 : vector<632x128xf32>
    %add3A_13 = arith.addf %mul3A, %mul3A_12 : vector<632x128xf32>
    %get3A_14 = arith.constant 0 : index
    %get3A_15 = arith.constant 0 : index
    %get3A_16 = vector.load %arg6[%get3A_14, %get3A_15] : memref<1x128xf32, #tpu.memory_space<vmem>>, vector<1x128xf32>
    %add3A_17 = vector.broadcast %get3A_16 : vector<1x128xf32> to vector<632x128xf32>
    %add3A_18 = arith.addf %add3A_13, %add3A_17 : vector<632x128xf32>
    %max3A = arith.constant 0.000000e+00 : f32
    %max3A_19 = vector.broadcast %max3A : f32 to vector<632x128xf32>
    %max3A_20 = arith.maximumf %add3A_18, %max3A_19 : vector<632x128xf32>
    %get3A_21 = arith.constant 0 : index
    %get3A_22 = arith.constant 0 : index
    %get3A_23 = vector.load %arg5[%get3A_21, %get3A_22] : memref<128x128xf32, #tpu.memory_space<vmem>>, vector<128x128xf32>
    %dot_general3A = arith.constant dense<0.000000e+00> : vector<632x128xf32>
    %dot_general3A_24 = tpu.matmul %max3A_20, %get3A_23, %dot_general3A {dimension_numbers = #tpu.dot_dimension_numbers<[1], [0], [0], [1], [0, 0, 1, 1], [], []>, transpose_lhs_hint = false} : vector<632x128xf32>, vector<128x128xf32>, vector<632x128xf32> -> vector<632x128xf32>
    %swap3A = arith.constant 0 : index
    %swap3A_25 = arith.constant 0 : index
    %swap3A_26 = vector.load %arg7[%swap3A, %swap3A_25] : memref<632x128xf32, #tpu.memory_space<vmem>>, vector<632x128xf32>
    tpu.vector_store %arg7[%swap3A, %swap3A_25], %dot_general3A_24 {strides = array<i32>} : memref<632x128xf32, #tpu.memory_space<vmem>>, vector<632x128xf32>,
    %mul3A_27 = arith.mulf %dot_general3A_24, %get3A_1 : vector<632x128xf32>
    %swap3A_28 = arith.constant 0 : index
    %swap3A_29 = arith.constant 0 : index
    %swap3A_30 = vector.load %arg8[%swap3A_28, %swap3A_29] : memref<632x128xf32, #tpu.memory_space<vmem>>, vector<632x128xf32>
    tpu.vector_store %arg8[%swap3A_28, %swap3A_29], %mul3A_27 {strides = array<i32>} : memref<632x128xf32, #tpu.memory_space<vmem>>, vector<632x128xf32>,
    return
  }
  func.func @transform_0(%arg0: i32) -> (i32, i32) {
    %c0_i32 = arith.constant 0 : i32
    %c0_i32_0 = arith.constant 0 : i32
    return %arg0, %c0_i32 : i32, i32
  }
  func.func @transform_1(%arg0: i32) -> (i32, i32) {
    %add3A = arith.constant 16 : i32
    %add3A_0 = arith.addi %arg0, %add3A : i32
    %c0_i32 = arith.constant 0 : i32
    %c0_i32_1 = arith.constant 0 : i32
    return %add3A_0, %c0_i32 : i32, i32
  }
  func.func @transform_2(%arg0: i32) -> (i32, i32) {
    %c0_i32 = arith.constant 0 : i32
    %c0_i32_0 = arith.constant 0 : i32
    return %arg0, %c0_i32 : i32, i32
  }
  func.func @transform_3(%arg0: i32) -> (i32, i32) {
    %c0_i32 = arith.constant 0 : i32
    %c0_i32_0 = arith.constant 0 : i32
    return %arg0, %c0_i32 : i32, i32
  }
  func.func @transform_4(%arg0: i32) -> (i32, i32) {
    %c0_i32 = arith.constant 0 : i32
    %c0_i32_0 = arith.constant 0 : i32
    %c0_i32_1 = arith.constant 0 : i32
    return %c0_i32, %c0_i32_0 : i32, i32
  }
  func.func @transform_5(%arg0: i32) -> (i32, i32) {
    %c0_i32 = arith.constant 0 : i32
    %c0_i32_0 = arith.constant 0 : i32
    %c0_i32_1 = arith.constant 0 : i32
    return %c0_i32, %c0_i32_0 : i32, i32
  }
  func.func @transform_6(%arg0: i32) -> (i32, i32) {
    %c0_i32 = arith.constant 0 : i32
    %c0_i32_0 = arith.constant 0 : i32
    return %arg0, %c0_i32 : i32, i32
  }
  func.func @transform_7(%arg0: i32) -> (i32, i32) {
    %c0_i32 = arith.constant 0 : i32
    %c0_i32_0 = arith.constant 0 : i32
    return %arg0, %c0_i32 : i32, i32
  }
}

module attributes {stable_mosaic.version = 14 : i64} {
  func.func @body(%arg0: i32, %arg1: memref<632x128xf32, #tpu.memory_space<vmem>>, %arg2: memref<632x128xf32, #tpu.memory_space<vmem>>, %arg3: memref<632x128xf32, #tpu.memory_space<vmem>>, %arg4: memref<632x128xf32, #tpu.memory_space<vmem>>, %arg5: memref<1x128xf32, #tpu.memory_space<vmem>>, %arg6: memref<632x128xf32, #tpu.memory_space<vmem>>) attributes {dimension_semantics = [#tpu.dimension_semantics<arbitrary>], iteration_bounds = array<i64: 16>, scalar_prefetch = 0 : i64, scratch_operands = 0 : i64, tpu.core_type = #tpu.core_type<tc>, window_params = [{transform_indices = @transform_0, window_bounds = array<i64: 632, 128>}, {transform_indices = @transform_1, window_bounds = array<i64: 632, 128>}, {transform_indices = @transform_2, window_bounds = array<i64: 632, 128>}, {transform_indices = @transform_3, window_bounds = array<i64: 632, 128>}, {pipeline_mode = #tpu.pipeline_mode<synchronous>, transform_indices = @transform_4, window_bounds = array<i64: 1, 128>}, {transform_indices = @transform_5, window_bounds = array<i64: 632, 128>}]} {
    %get3A = arith.constant 0 : index
    %get3A_0 = arith.constant 0 : index
    %get3A_1 = vector.load %arg4[%get3A, %get3A_0] : memref<632x128xf32, #tpu.memory_space<vmem>>, vector<632x128xf32>
    %get3A_2 = arith.constant 0 : index
    %get3A_3 = arith.constant 0 : index
    %get3A_4 = vector.load %arg1[%get3A_2, %get3A_3] : memref<632x128xf32, #tpu.memory_space<vmem>>, vector<632x128xf32>
    %get3A_5 = arith.constant 0 : index
    %get3A_6 = arith.constant 0 : index
    %get3A_7 = vector.load %arg2[%get3A_5, %get3A_6] : memref<632x128xf32, #tpu.memory_space<vmem>>, vector<632x128xf32>
    %add3A = arith.addf %get3A_4, %get3A_7 : vector<632x128xf32>
    %mul3A = arith.mulf %add3A, %get3A_1 : vector<632x128xf32>
    %get3A_8 = arith.constant 0 : index
    %get3A_9 = arith.constant 0 : index
    %get3A_10 = vector.load %arg3[%get3A_8, %get3A_9] : memref<632x128xf32, #tpu.memory_space<vmem>>, vector<632x128xf32>
    %mul3A_11 = arith.mulf %get3A_1, %get3A_1 : vector<632x128xf32>
    %mul3A_12 = arith.mulf %get3A_10, %mul3A_11 : vector<632x128xf32>
    %add3A_13 = arith.addf %mul3A, %mul3A_12 : vector<632x128xf32>
    %get3A_14 = arith.constant 0 : index
    %get3A_15 = arith.constant 0 : index
    %get3A_16 = vector.load %arg5[%get3A_14, %get3A_15] : memref<1x128xf32, #tpu.memory_space<vmem>>, vector<1x128xf32>
    %add3A_17 = vector.broadcast %get3A_16 : vector<1x128xf32> to vector<632x128xf32>
    %add3A_18 = arith.addf %add3A_13, %add3A_17 : vector<632x128xf32>
    %swap3A = arith.constant 0 : index
    %swap3A_19 = arith.constant 0 : index
    %swap3A_20 = vector.load %arg6[%swap3A, %swap3A_19] : memref<632x128xf32, #tpu.memory_space<vmem>>, vector<632x128xf32>
    tpu.vector_store %arg6[%swap3A, %swap3A_19], %add3A_18 {strides = array<i32>} : memref<632x128xf32, #tpu.memory_space<vmem>>, vector<632x128xf32>,
    return
  }
  func.func @transform_0(%arg0: i32) -> (i32, i32) {
    %c0_i32 = arith.constant 0 : i32
    %c0_i32_0 = arith.constant 0 : i32
    return %arg0, %c0_i32 : i32, i32
  }
  func.func @transform_1(%arg0: i32) -> (i32, i32) {
    %add3A = arith.constant 16 : i32
    %add3A_0 = arith.addi %arg0, %add3A : i32
    %c0_i32 = arith.constant 0 : i32
    %c0_i32_1 = arith.constant 0 : i32
    return %add3A_0, %c0_i32 : i32, i32
  }
  func.func @transform_2(%arg0: i32) -> (i32, i32) {
    %c0_i32 = arith.constant 0 : i32
    %c0_i32_0 = arith.constant 0 : i32
    return %arg0, %c0_i32 : i32, i32
  }
  func.func @transform_3(%arg0: i32) -> (i32, i32) {
    %c0_i32 = arith.constant 0 : i32
    %c0_i32_0 = arith.constant 0 : i32
    return %arg0, %c0_i32 : i32, i32
  }
  func.func @transform_4(%arg0: i32) -> (i32, i32) {
    %c0_i32 = arith.constant 0 : i32
    %c0_i32_0 = arith.constant 0 : i32
    %c0_i32_1 = arith.constant 0 : i32
    return %c0_i32, %c0_i32_0 : i32, i32
  }
  func.func @transform_5(%arg0: i32) -> (i32, i32) {
    %c0_i32 = arith.constant 0 : i32
    %c0_i32_0 = arith.constant 0 : i32
    return %arg0, %c0_i32 : i32, i32
  }
}

</mosaic_0001>

<sc_bundles>
// kernel: kernel.11.cloned.1.call-start
scs
__scs_entry_jumppad:
0x0: {  	(pc) =	sbr.rel $0x88, $3  }
0x1: {  	(tag) =	ssettag $0x0;
	lr =	simm.s32 $0x1  }
0x2: {  	[smem:$0x3F9B] =	sst lr;
	_ =	strace $0xD0000000  }
0x3: {  	_ = 	snop  }
0x4: {  	_ = 	snop  }
0x5: {  	_ = 	snop  }
0x6: {  	_ = 	snop  }
0x7: {  	_ = 	snop  }
__scs_overlays_trampoline_lowered:
0x8: {  	[smem:$0x3FAA] =	sst s0  }
0x9: {  	[smem:$0x3FAB] =	sst s1  }
0xa: {  	[smem:$0x3FAC] =	sst s2  }
0xb: {  	[smem:$0x3FAD] =	sst s3  }
0xc: {  	[smem:$0x3FAE] =	sst s4  }
0xd: {  	[smem:$0x3FAF] =	sst s5  }
0xe: {  	[smem:$0x3FB0] =	sst s6  }
0xf: {  	[smem:$0x3FB1] =	sst s7  }
0x10: {  	[smem:$0x3FB2] =	sst s8  }
0x11: {  	[smem:$0x3FB3] =	sst s9;
	s0 =	simm.s32 @!p0 $0x0  }
0x12: {  	s1 =	sld [smem:$0x3F99];
	s0 =	simm.s32 @p0 $0x1  }
0x13: {  	[smem:$0x3FB4] =	sst s0;
	s0 =	simm.s32 @!p1 $0x0  }
0x14: {  	s2 =	sld [smem:$0x3F98];
	s0 =	simm.s32 @p1 $0x1  }
0x15: {  	[smem:$0x3FB5] =	sst s0;
	s0 =	simm.s32 @!p2 $0x0  }
0x16: {  	s3 =	sld [smem:$0x3FDB];
	s0 =	simm.s32 @p2 $0x1  }
0x17: {  	s4 =	simm.s32 $0x1BF5;
	[smem:$0x3FB7] =	sst s0  }
0x18: {  	s0 =	sld [smem:$0x3F9A];
	_ =	swait.ge [sflag:s4], $0x0  }
0x19: {  	s7 =	sld [smem:$0x3F9B]  }
0x1a: {  	s8 =	sadd.s32 $0xFFFFE003, lr  }
0x1b: {  	s9 =	sadd.s32 $0xFFFFFEF7, lr;
	s5 =	simm.s32 $0xFFFFFFFF;
	p2 =	slt.u32 s8, $0xFFFFF086  }
0x1c: {  	p1 =	slt.u32 s9, $0xF7A;
	s5 =	simm.s32 @!p2 $0x0  }
0x1d: {  	s5 =	simm.s32 @p1 $0x1;
	p0 =	seq.s32 s7, s2  }
0x1e: {  	s7 =	smul.u32 @!p0 $0xF7A, s2;
	p2 =	seq.s32 @!p0 s5, $0x0  }
0x1f: {  	s9 =	smul.u32 $0xF7A, s1;
	s8 =	simm.s32 @!p0 $0x1BF5;
	p2 =	por !p2, p0  }
0x20: {  	[sflag:s8] =	ssyncset.s32 @!p0 $0xFFFFF086;
	s6 =	sadd.s32 @!p0 s3, s7;
	s7 =	simm.s32 @!p0 $0x108  }
0x21: {  	s3 =	sadd.s32 s3, s9;
	s6 =	sadd.s32 @!p0 $0x88, s6;
	s7 =	simm.s32 @p2 $0x1082  }
0x22: {  	[simem:s7], [sflag:s8] =	dma.local @!p0 [hbm:s6], $0xF7A  }
0x23: {  	s9 =	sor.u32 $0xD0000000, s2;
	s6 =	simm.s32 $0x108;
	_ =	swait.ge @!p0 [sflag:s8], $0x0  }
0x24: {  	s3 =	sadd.s32 $0x88, s3;
	s6 =	simm.s32 @!p1 $0x1082;
	[sflag:s4] =	ssyncset.s32 $0xFFFFF086  }
0x25: {  	[simem:s6], [sflag:s4] =	dma.local [hbm:s3], $0xF7A  }
0x26: {  	[smem:$0x3F9B] =	sst s1;
	(tag) =	ssettag s2;
	_ =	strace s9  }
0x27: {  	s1 =	sld [smem:$0x3FAB]  }
0x28: {  	s2 =	sld [smem:$0x3FAC]  }
0x29: {  	s4 =	sld [smem:$0x3FAE]  }
0x2a: {  	p0 =	seq.s32 s5, $0x0;
	s5 =	sld [smem:$0x3FAF]  }
0x2b: {  	s6 =	sld [smem:$0x3FB0]  }
0x2c: {  	s7 =	sld [smem:$0x3FB1]  }
0x2d: {  	s3 =	simm.s32 $0x108;
	s8 =	sld [smem:$0x3FB2]  }
0x2e: {  	s3 =	simm.s32 @!p0 $0x1082;
	s9 =	sld [smem:$0x3FB3]  }
0x2f: {  	lr =	sadd.s32 s0, s3;
	s0 =	sld [smem:$0x3FAA]  }
0x30: {  	s3 =	sld [smem:$0x3FAD]  }
0x31: {  	[smem:$0x3FB6] =	sst s10  }
0x32: {  	s10 =	sld [smem:$0x3FB4];
	_ =	sdelay $0x3  }
0x33: {  	p0 =	seq.s32 s10, $0x1;
	s10 =	sld [smem:$0x3FB6];
	_ =	sdelay $0x3  }
0x34: {  	[smem:$0x3FB6] =	sst s10  }
0x35: {  	s10 =	sld [smem:$0x3FB5];
	_ =	sdelay $0x3  }
0x36: {  	p1 =	seq.s32 s10, $0x1;
	s10 =	sld [smem:$0x3FB6];
	_ =	sdelay $0x3  }
0x37: {  	[smem:$0x3FB6] =	sst s10  }
0x38: {  	s10 =	sld [smem:$0x3FB7]  }
0x39: {  	_ = 	snop;
	(pc) =	sbr.ind lr, $3  }
0x3a: {  	_ = 	snop  }
0x3b: {  	_ = 	snop  }
0x3c: {  	p2 =	seq.s32 s10, $0x1;
	s10 =	sld [smem:$0x3FB6]  }
0x3d: {  	_ =	shalt  }
0x3e: {  	_ =	shalt  }
0x3f: {  	_ =	shalt  }
0x40: {  	_ =	shalt  }
0x41: {  	_ =	shalt  }
0x42: {  	_ =	shalt  }
0x43: {  	_ =	shalt  }
0x44: {  	_ =	shalt  }
0x45: {  	_ =	shalt  }
0x46: {  	_ =	shalt  }
0x47: {  	_ =	shalt  }
0x48: {  	_ =	shalt  }
0x49: {  	_ =	shalt  }
0x4a: {  	_ =	shalt  }
0x4b: {  	_ =	shalt  }
0x4c: {  	_ =	shalt  }
0x4d: {  	_ =	shalt  }
0x4e: {  	_ =	shalt  }
0x4f: {  	_ =	shalt  }
0x50: {  	_ =	shalt  }
0x51: {  	_ =	shalt  }
0x52: {  	_ =	shalt  }
0x53: {  	_ =	shalt  }
0x54: {  	_ =	shalt  }
0x55: {  	_ =	shalt  }
0x56: {  	_ =	shalt  }
0x57: {  	_ =	shalt  }
0x58: {  	_ =	shalt  }
0x59: {  	_ =	shalt  }
0x5a: {  	_ =	shalt  }
0x5b: {  	_ =	shalt  }
0x5c: {  	_ =	shalt  }
0x5d: {  	_ =	shalt  }
0x5e: {  	_ =	shalt  }
0x5f: {  	_ =	shalt  }
0x60: {  	_ =	shalt  }
0x61: {  	_ =	shalt  }
0x62: {  	_ =	shalt  }
0x63: {  	_ =	shalt  }
0x64: {  	_ =	shalt  }
0x65: {  	_ =	shalt  }
0x66: {  	_ =	shalt  }
0x67: {  	_ =	shalt  }
0x68: {  	_ =	shalt  }
0x69: {  	_ =	shalt  }
0x6a: {  	_ =	shalt  }
0x6b: {  	_ =	shalt  }
0x6c: {  	_ =	shalt  }
0x6d: {  	_ =	shalt  }
0x6e: {  	_ =	shalt  }
0x6f: {  	_ =	shalt  }
0x70: {  	_ =	shalt  }
0x71: {  	_ =	shalt  }
0x72: {  	_ =	shalt  }
0x73: {  	_ =	shalt  }
0x74: {  	_ =	shalt  }
0x75: {  	_ =	shalt  }
0x76: {  	_ =	shalt  }
0x77: {  	_ =	shalt  }
0x78: {  	_ =	shalt  }
0x79: {  	_ =	shalt  }
0x7a: {  	_ =	shalt  }
0x7b: {  	_ =	shalt  }
0x7c: {  	_ =	shalt  }
0x7d: {  	_ =	shalt  }
0x7e: {  	_ =	shalt  }
0x7f: {  	_ =	shalt  }
0x80: {  	_ =	shalt  }
0x81: {  	_ =	shalt  }
0x82: {  	_ =	shalt  }
0x83: {  	_ =	shalt  }
0x84: {  	_ =	shalt  }
0x85: {  	_ =	shalt  }
0x86: {  	_ =	shalt  }
0x87: {  	_ =	shalt  }
.Lfunc_end0:
.L_simem_size_0:
called_computation.1_lowered:
.L_overlay_start_0:
0x88: {  	s2 =	sld [smem:$0x3FD9]  }
0x89: {  	s3 =	sld [smem:$0x3FFE];
	_ =	sdelay $0x1  }
0x8a: {  	s1 =	srdreg.scid  }
0x8b: {  	s0 =	sand.u32 $0x1, s1  }
0x8c: {  	s17 =	sshll.u32 s0, $0xA;
	s2 =	sadd.s32 s3, s2  }
0x8d: {  	s2 =	sadd.s32 s2, s17  }
0x8e: {  	[smem:$0x3FC2] =	sst s2  }
0x8f: {  	_ = 	snop  }
0x90: {  	s2 =	sld [smem:$0x3FD0];
	(tm) =	ssettm $0x1  }
0x91: {  	s18 =	sld [smem:$0x3FFB];
	_ =	sdelay $0x3  }
0x92: {  	_ =	strace s18  }
0x93: {  	s3 =	sld [smem:$0x3FFC];
	_ =	sdelay $0x3  }
0x94: {  	_ =	strace s3  }
0x95: {  	s3 =	sld [smem:$0x3FFD];
	_ =	sdelay $0x3  }
0x96: {  	_ =	strace s3  }
0x97: {  	_ =	strace $0x8FFFFFFF  }
0x98: {  	s19 =	sld [smem:$0x3FDB];
	_ =	sdelay $0x1  }
0x99: {  	s4 =	simm.s32 $_scs_section_size  }
0x9a: {  	s5 =	simm.s32 $_size__tile_overlayer_lowered;
	s6 =	simm.s32 $_tile_overlayer_lowered  }
0x9b: {  	s22 =	simm.s32 $0x1BFF;
	s21 =	sshll.u32 s6, $0x1;
	s3 =	sadd.s32 s4, s19  }
0x9c: {  	s7 =	simm.s32 $0x0;
	s20 =	sshll.u32 s5, $0x1;
	s5 =	sadd.s32 s21, s3  }
0x9d: {  	[timem:s7], [sflag:s22] =	dma.local [hbm:s5], s20  }
0x9e: {  	_ =	swait.ge [sflag:s22], s20  }
0x9f: {  	s4 =	ssub.s32 $0x0, s20;
	[sflag:s22] =	ssyncset.done $0x0  }
0xa0: {  	[sflag:s22] =	ssyncadd.s32 s4;
	_ =	sdelay $0x1  }
0xa1: {  	s23 =	simm.s32 $0x1B8B  }
0xa2: {  	_ =	swait.ge [sflag:s23], $0x1  }
0xa3: {  	[sflag:s23] =	ssyncset.done $0x0  }
0xa4: {  	s25 =	simm.s32 $0x1B8E;
	s24 =	sld [smem:$0x3FFE];
	[sflag:s23] =	ssyncadd.s32 $0xFFFFFFFF  }
0xa5: {  	s26 =	simm.s32 $execute0_lowered;
	[smem:$0x3FD2] =	sst s25  }
0xa6: {  	s5 =	sshll.u32 s26, $0x1;
	_ =	strace $0x80000049;
	[dreg:$0x1] =	wrdreg $0xFFFFFFFF  }
0xa7: {  	s28 =	simm.s32 $_size_execute0_lowered;
	s3 =	sadd.s32 s3, s5;
	[dreg:$0x0] =	wrdreg $0x0  }
0xa8: {  	s5 =	sshll.u32 s28, $0x1;
	[dreg:$0x2] =	wrdreg s3  }
0xa9: {  	[dreg:$0x3] =	wrdreg s5  }
0xaa: {  	[dreg:$0x4] =	wrdreg $0xC0  }
0xab: {  	_ =	task [dreg:s7], $0x5FFFF  }
0xac: {  	[dreg:$0x1] =	wrdreg $0xFFFFFFFF  }
0xad: {  	[dreg:$0x0] =	wrdreg $0x60  }
0xae: {  	[dreg:$0x2] =	wrdreg s24  }
0xaf: {  	[dreg:$0x3] =	wrdreg s2  }
0xb0: {  	[dreg:$0x4] =	wrdreg $0xA8000  }
0xb1: {  	[dreg:$0x5] =	wrdreg $0x9  }
0xb2: {  	_ =	task.clear_ibuf [dreg:s7], $0x6FFFF;
	_ =	strace $0x90000049  }
0xb3: {  	s29 =	simm.s32 $0x9;
	_ =	strace $0x8000004B  }
0xb4: {  	_ =	swait.ge [sflag:s29], $0x1  }
0xb5: {  	[sflag:s29] =	ssyncadd.s32 $0xFFFFFFFF  }
0xb6: {  	_ =	strace $0x9000004B  }
0xb7: {  	_ =	sfence  }
0xb8: {  	s30 =	sld [smem:$0x0];
	_ =	sdelay $0x2  }
0xb9: {  	s31 =	sshll.u32 s1, $0xD;
	s1 =	sshrl.u32 s1, $0x2  }
0xba: {  	s3 =	sand.u32 $0x4000, s31;
	s1 =	sadd.s32 s1, s30  }
0xbb: {  	s0 =	sor.u32 s3, s0;
	s1 =	sshll.u32 s1, $0x11  }
0xbc: {  	s0 =	sor.u32 s1, s0  }
0xbd: {  	s0 =	sadd.s32 $0x8F2B, s0  }
0xbe: {  	[sflag:s0] =	ssyncadd.remote.s32 $0x1  }
0xbf: {  	_ =	sfence.sel $0xFFFF  }
0xc0: {  	[dreg:$0x0] =	wrdreg $0xFFFFFFFF;
	(pc) =	sbr.abs _section_cstart, $3  }
0xc1: {  	[dreg:$0x1] =	wrdreg $0xFFFFFFFF  }
0xc2: {  	_ =	task.clear_ibuf [dreg:s7], $0x2FFFF;
	_ =	strace $0x9FFFFFFF  }
0xc3: {  	(tm) =	ssettm $0x7FFFFFFF  }
tec
execute0_lowered:
.L_overlay_start_1:
0x0: {  	(tag) =	ssettag $0x1  }
0x1: {  	s6 =	rddreg [dreg:$0x0]  }
0x2: {  	s10 =	rddreg [dreg:$0x1]  }
0x3: {  	s2 =	rddreg [dreg:$0x2]  }
0x4: {  	s0 =	rddreg [dreg:$0x3];
	s4 =	srdreg.scid  }
0x5: {  	s1 =	stileid.u32;
	s3 =	simm.s32 $0x0;
	s16 =	simm.s32 $0x80  }
0x6: {  	s17 =	simm.s32 $0x2800;
	s18 =	simm.s32 $0x6800;
	s19 =	simm.s32 $0x1  }
0x7: {  	s20 =	simm.s32 $0x2;
	s21 =	simm.s32 $0x2700;
	s22 =	simm.s32 $0x2780  }
0x8: {  	s23 =	simm.s32 $0x2600;
	s24 =	simm.s32 $0x1300;
	s7 =	sand.u32 $0x1, s4  }
0x9: {  	s8 =	smul.u32 $0x2780, s1;
	[smem:$0x7FF] =	sst s3;
	s4 =	sadd.s32 $0x4C00, s6  }
0xa: {  	s11 =	sadd.s32 $0x53C00, s6;
	s5 =	sadd.s32 $0x2400, s6;
	s26 =	smul.u32 $0x4F000, s1  }
0xb: {  	s25 =	sshll.u32 s1, $0x1;
	s30 =	sshll.u32 s1, $0x6;
	s9 =	smul.u32 $0x27800, s7  }
0xc: {  	_ =	strace $0x8000004A;
	s12 =	ssub.s32 $0x2, s7;
	s7 =	sor.u32 s7, s25  }
0xd: {  	s25 =	simm.s32 $0x2680;
	s28 =	sshrl.u32 s12, $0x1;
	s7 =	smul.u32 $0x2800, s7  }
0xe: {  	s29 =	sshrl.u32 s26, $0x2;
	s26 =	simm.s32 $0x0;
	s8 =	sadd.s32 s8, s9  }
0xf: {  	s12 =	ssub.s32 s12, s28;
	s14 =	sadd.s32 s29, s2;
	s13 =	sadd.s32 s8, s6  }
0x10: {  	s6 =	sor.u32 $0x1C03, s30;
	s31 =	sshrl.u32 s7, $0x3;
	s12 =	smax.u32 s12, $0x1  }
0x11: {  	s7 =	sadd.s32 s11, s31;
	s8 =	sadd.s32 s10, s31;
	s15 =	sadd.s32 $0x280, s31  }
0x12: {  	s9 =	sadd.s32 s11, s15;
	s10 =	sadd.s32 s10, s15;
	s11 =	sadd.s32 $0x5DC00, s13  }
0x13: {  	s13 =	sshrl.u32 s14, $0x3;
	s14 =	simm.s32 $0x3;
	s15 =	simm.s32 $0x1400  }
.LBB2_1:
0x14: {  	[spmem:s13], [sflag:s6] =	dma.local [hbm:s5], $0x2780  }
0x15: {  	_ =	swait.ge [sflag:s14], $0x2780  }
0x16: {  	[sflag:s14] =	ssyncset.done $0x0  }
0x17: {  	[sflag:s14] =	ssyncadd.s32 $0xFFFFD880  }
0x18: {  	[tilespmem:s3], [sflag:$0x3] =	stream.linear.gather [hbm4b:s7+s3], $0x1400, $0x38;
	[tilespmem:$0x1E400] =	vst v63  }
0x19: {  	_ =	swait.ge [sflag:s14], $0x1400  }
0x1a: {  	[sflag:s14] =	ssyncset.done $0x0  }
0x1b: {  	[sflag:s14] =	ssyncadd.s32 $0xFFFFEC00  }
0x1c: {  	[tilespmem:s15], [sflag:$0x3] =	stream.linear.gather [hbm4b:s8+s3], $0x1400, $0x38;
	[tilespmem:$0x1E400] =	vst v63  }
0x1d: {  	_ =	swait.ge [sflag:s14], $0x1400  }
0x1e: {  	[sflag:s14] =	ssyncset.done $0x0  }
0x1f: {  	[sflag:s14] =	ssyncadd.s32 $0xFFFFEC00  }
0x20: {  	[tilespmem:s17], [sflag:$0x1] =	stream.indirect.gather [hbm4b:s4+s16], $0x80, s3, s16, $0xb8;
	[tilespmem:$0x1E400] =	vst v63  }
0x21: {  	_ = 	snop  }
0x22: {  	[tilespmem:s18], [sflag:$0x2] =	stream.indirect.gather [hbm4b:s4+s16], $0x80, s16, s16, $0xb8;
	[tilespmem:$0x1E400] =	vst v63  }
0x23: {  	[bflag:$0x0] =	sbarrier.arrive $0xFFFF  }
0x24: {  	_ =	swait.ge [sflag:s19], $0x4000  }
0x25: {  	[sflag:s19] =	ssyncset.done $0x0  }
0x26: {  	s28 =	simm.s32 $0x1400;
	[sflag:s19] =	ssyncadd.s32 $0xFFFFC000  }
0x27: {  	[spmem:s2] =	stream.indirect.scatter.add.f32 [tilespmem:s17], [sflag:$0x3], $0x80, s28, s16, $0xb8;
	[tilespmem:$0x1E400] =	vst v63  }
0x28: {  	_ =	swait.ge [sflag:s14], $0x4000  }
0x29: {  	[sflag:s14] =	ssyncset.done $0x0  }
0x2a: {  	s28 =	simm.s32 $0x100;
	[sflag:s14] =	ssyncadd.s32 $0xFFFFC000  }
0x2b: {  	[tilespmem:s17], [sflag:$0x1] =	stream.indirect.gather [hbm4b:s4+s16], $0x80, s28, s16, $0xb8;
	[tilespmem:$0x1E400] =	vst v63  }
0x2c: {  	_ =	swait.ge [sflag:s20], $0x4000  }
0x2d: {  	[sflag:s20] =	ssyncset.done $0x0  }
0x2e: {  	s28 =	simm.s32 $0x1480;
	[sflag:s20] =	ssyncadd.s32 $0xFFFFC000  }
0x2f: {  	[spmem:s2] =	stream.indirect.scatter.add.f32 [tilespmem:s18], [sflag:$0x3], $0x80, s28, s16, $0xb8;
	[tilespmem:$0x1E400] =	vst v63  }
0x30: {  	_ =	swait.ge [sflag:s14], $0x4000  }
0x31: {  	[sflag:s14] =	ssyncset.done $0x0  }
0x32: {  	s29 =	simm.s32 $0x180;
	s28 =	simm.s32 $0x400;
	[sflag:s14] =	ssyncadd.s32 $0xFFFFC000  }
.LBB2_2:
0x33: {  	[tilespmem:s18], [sflag:$0x2] =	stream.indirect.gather [hbm4b:s4+s16], $0x80, s29, s16, $0xb8;
	[tilespmem:$0x1E400] =	vst v63  }
0x34: {  	s29 =	smov.u32 s28  }
0x35: {  	p0 =	sne.s32 s28, $0x4800;
	s28 =	sadd.s32 $0x400, s28;
	_ =	swait.ge [sflag:s19], $0x4000  }
0x36: {  	s29 =	sshra.s32 s29, $0x2;
	[sflag:s19] =	ssyncset.done $0x0  }
0x37: {  	s30 =	sadd.s32 $0x1400, s29;
	[sflag:s19] =	ssyncadd.s32 $0xFFFFC000  }
0x38: {  	[spmem:s2] =	stream.indirect.scatter.add.f32 [tilespmem:s17], [sflag:$0x3], $0x80, s30, s16, $0xb8;
	[tilespmem:$0x1E400] =	vst v63  }
0x39: {  	_ =	swait.ge [sflag:s14], $0x4000  }
0x3a: {  	[sflag:s14] =	ssyncset.done $0x0  }
0x3b: {  	s30 =	sadd.s32 $0x100, s29;
	[sflag:s14] =	ssyncadd.s32 $0xFFFFC000  }
0x3c: {  	[tilespmem:s17], [sflag:$0x1] =	stream.indirect.gather [hbm4b:s4+s16], $0x80, s30, s16, $0xb8;
	[tilespmem:$0x1E400] =	vst v63  }
0x3d: {  	_ =	swait.ge [sflag:s20], $0x4000  }
0x3e: {  	[sflag:s20] =	ssyncset.done $0x0  }
.Ltmp0:
0x3f: {  	s30 =	sadd.s32 $0x1480, s29;
	[sflag:s20] =	ssyncadd.s32 $0xFFFFC000;
	(pc) =	sbr.rel @p0 .LBB2_2-.Ltmp0, $4  }
0x40: {  	[spmem:s2] =	stream.indirect.scatter.add.f32 [tilespmem:s18], [sflag:$0x3], $0x80, s30, s16, $0xb8;
	[tilespmem:$0x1E400] =	vst v63  }
0x41: {  	_ =	swait.ge [sflag:s14], $0x4000  }
0x42: {  	[sflag:s14] =	ssyncset.done $0x0  }
0x43: {  	s29 =	sadd.s32 $0x180, s29;
	[sflag:s14] =	ssyncadd.s32 $0xFFFFC000  }
0x44: {  	[tilespmem:s18], [sflag:$0x2] =	stream.indirect.gather [hbm4b:s4+s16], $0x80, s29, s16, $0xb8;
	[tilespmem:$0x1E400] =	vst v63  }
0x45: {  	_ =	swait.ge [sflag:s19], $0x4000  }
0x46: {  	[sflag:s19] =	ssyncset.done $0x0  }
0x47: {  	[sflag:s19] =	ssyncadd.s32 $0xFFFFC000  }
0x48: {  	[spmem:s2] =	stream.indirect.scatter.add.f32 [tilespmem:s17], [sflag:$0x3], $0x80, s21, s16, $0xb8;
	[tilespmem:$0x1E400] =	vst v63  }
0x49: {  	_ =	swait.ge [sflag:s14], $0x4000  }
0x4a: {  	[sflag:s14] =	ssyncset.done $0x0  }
0x4b: {  	[sflag:s14] =	ssyncadd.s32 $0xFFFFC000  }
0x4c: {  	_ =	swait.ge [sflag:s20], $0x4000  }
0x4d: {  	[sflag:s20] =	ssyncset.done $0x0  }
0x4e: {  	[sflag:s20] =	ssyncadd.s32 $0xFFFFC000  }
0x4f: {  	[spmem:s2] =	stream.indirect.scatter.add.f32 [tilespmem:s18], [sflag:$0x3], $0x80, s22, s16, $0xb8;
	[tilespmem:$0x1E400] =	vst v63  }
0x50: {  	_ =	swait.ge [sflag:s14], $0x4000  }
0x51: {  	[sflag:s14] =	ssyncset.done $0x0  }
0x52: {  	s28 =	simm.s32 $0x0;
	[sflag:s14] =	ssyncadd.s32 $0xFFFFC000  }
0x53: {  	[tilespmem:s28], [sflag:$0x3] =	stream.linear.gather [hbm4b:s9+s28], $0x1380, $0x38;
	[tilespmem:$0x1E400] =	vst v63  }
0x54: {  	_ =	swait.ge [sflag:s14], $0x1380  }
0x55: {  	[sflag:s14] =	ssyncset.done $0x0  }
0x56: {  	[sflag:s14] =	ssyncadd.s32 $0xFFFFEC80  }
0x57: {  	[tilespmem:s15], [sflag:$0x3] =	stream.linear.gather [hbm4b:s10+s28], $0x1380, $0x38;
	[tilespmem:$0x1E400] =	vst v63  }
0x58: {  	_ =	swait.ge [sflag:s14], $0x1380  }
0x59: {  	[sflag:s14] =	ssyncset.done $0x0  }
0x5a: {  	[sflag:s14] =	ssyncadd.s32 $0xFFFFEC80  }
0x5b: {  	[tilespmem:s17], [sflag:$0x1] =	stream.indirect.gather [hbm4b:s4+s16], $0x80, s28, s16, $0xb8;
	[tilespmem:$0x1E400] =	vst v63  }
0x5c: {  	_ = 	snop  }
0x5d: {  	[tilespmem:s18], [sflag:$0x2] =	stream.indirect.gather [hbm4b:s4+s16], $0x80, s16, s16, $0xb8;
	[tilespmem:$0x1E400] =	vst v63  }
0x5e: {  	_ =	swait.ge [sflag:s19], $0x4000  }
0x5f: {  	[sflag:s19] =	ssyncset.done $0x0  }
0x60: {  	s28 =	simm.s32 $0x1400;
	[sflag:s19] =	ssyncadd.s32 $0xFFFFC000  }
0x61: {  	[spmem:s2] =	stream.indirect.scatter.add.f32 [tilespmem:s17], [sflag:$0x3], $0x80, s28, s16, $0xb8;
	[tilespmem:$0x1E400] =	vst v63  }
0x62: {  	_ =	swait.ge [sflag:s14], $0x4000  }
0x63: {  	[sflag:s14] =	ssyncset.done $0x0  }
0x64: {  	s28 =	simm.s32 $0x100;
	[sflag:s14] =	ssyncadd.s32 $0xFFFFC000  }
0x65: {  	[tilespmem:s17], [sflag:$0x1] =	stream.indirect.gather [hbm4b:s4+s16], $0x80, s28, s16, $0xb8;
	[tilespmem:$0x1E400] =	vst v63  }
0x66: {  	_ =	swait.ge [sflag:s20], $0x4000  }
0x67: {  	[sflag:s20] =	ssyncset.done $0x0  }
0x68: {  	s28 =	simm.s32 $0x1480;
	[sflag:s20] =	ssyncadd.s32 $0xFFFFC000  }
0x69: {  	[spmem:s2] =	stream.indirect.scatter.add.f32 [tilespmem:s18], [sflag:$0x3], $0x80, s28, s16, $0xb8;
	[tilespmem:$0x1E400] =	vst v63  }
0x6a: {  	_ =	swait.ge [sflag:s14], $0x4000  }
0x6b: {  	[sflag:s14] =	ssyncset.done $0x0  }
0x6c: {  	s29 =	simm.s32 $0x180;
	s28 =	simm.s32 $0x400;
	[sflag:s14] =	ssyncadd.s32 $0xFFFFC000  }
.LBB2_4:
0x6d: {  	[tilespmem:s18], [sflag:$0x2] =	stream.indirect.gather [hbm4b:s4+s16], $0x80, s29, s16, $0xb8;
	[tilespmem:$0x1E400] =	vst v63  }
0x6e: {  	s29 =	smov.u32 s28  }
0x6f: {  	p0 =	sne.s32 s28, $0x4400;
	s28 =	sadd.s32 $0x400, s28;
	_ =	swait.ge [sflag:s19], $0x4000  }
0x70: {  	s29 =	sshra.s32 s29, $0x2;
	[sflag:s19] =	ssyncset.done $0x0  }
0x71: {  	s30 =	sadd.s32 $0x1400, s29;
	[sflag:s19] =	ssyncadd.s32 $0xFFFFC000  }
0x72: {  	[spmem:s2] =	stream.indirect.scatter.add.f32 [tilespmem:s17], [sflag:$0x3], $0x80, s30, s16, $0xb8;
	[tilespmem:$0x1E400] =	vst v63  }
0x73: {  	_ =	swait.ge [sflag:s14], $0x4000  }
0x74: {  	[sflag:s14] =	ssyncset.done $0x0  }
0x75: {  	s30 =	sadd.s32 $0x100, s29;
	[sflag:s14] =	ssyncadd.s32 $0xFFFFC000  }
0x76: {  	[tilespmem:s17], [sflag:$0x1] =	stream.indirect.gather [hbm4b:s4+s16], $0x80, s30, s16, $0xb8;
	[tilespmem:$0x1E400] =	vst v63  }
0x77: {  	_ =	swait.ge [sflag:s20], $0x4000  }
0x78: {  	[sflag:s20] =	ssyncset.done $0x0  }
.Ltmp1:
0x79: {  	s30 =	sadd.s32 $0x1480, s29;
	[sflag:s20] =	ssyncadd.s32 $0xFFFFC000;
	(pc) =	sbr.rel @p0 .LBB2_4-.Ltmp1, $4  }
0x7a: {  	[spmem:s2] =	stream.indirect.scatter.add.f32 [tilespmem:s18], [sflag:$0x3], $0x80, s30, s16, $0xb8;
	[tilespmem:$0x1E400] =	vst v63  }
0x7b: {  	_ =	swait.ge [sflag:s14], $0x4000  }
0x7c: {  	[sflag:s14] =	ssyncset.done $0x0  }
0x7d: {  	s29 =	sadd.s32 $0x180, s29;
	[sflag:s14] =	ssyncadd.s32 $0xFFFFC000  }
0x7e: {  	[tilespmem:s18], [sflag:$0x2] =	stream.indirect.gather [hbm4b:s4+s16], $0x80, s29, s16, $0xb8;
	[tilespmem:$0x1E400] =	vst v63  }
0x7f: {  	_ =	swait.ge [sflag:s19], $0x4000  }
0x80: {  	[sflag:s19] =	ssyncset.done $0x0  }
0x81: {  	[sflag:s19] =	ssyncadd.s32 $0xFFFFC000  }
0x82: {  	[spmem:s2] =	stream.indirect.scatter.add.f32 [tilespmem:s17], [sflag:$0x3], $0x80, s23, s16, $0xb8;
	[tilespmem:$0x1E400] =	vst v63  }
0x83: {  	_ =	swait.ge [sflag:s14], $0x4000  }
0x84: {  	[sflag:s14] =	ssyncset.done $0x0  }
0x85: {  	[sflag:s14] =	ssyncadd.s32 $0xFFFFC000  }
0x86: {  	[tilespmem:s17], [sflag:$0x1] =	stream.indirect.gather [hbm4b:s4+s16], $0x80, s24, s16, $0xb8;
	[tilespmem:$0x1E400] =	vst v63  }
0x87: {  	_ =	swait.ge [sflag:s20], $0x4000  }
0x88: {  	[sflag:s20] =	ssyncset.done $0x0  }
0x89: {  	[sflag:s20] =	ssyncadd.s32 $0xFFFFC000  }
0x8a: {  	[spmem:s2] =	stream.indirect.scatter.add.f32 [tilespmem:s18], [sflag:$0x3], $0x80, s25, s16, $0xb8;
	[tilespmem:$0x1E400] =	vst v63  }
0x8b: {  	_ =	swait.ge [sflag:s14], $0x4000  }
0x8c: {  	[sflag:s14] =	ssyncset.done $0x0  }
0x8d: {  	[sflag:s14] =	ssyncadd.s32 $0xFFFFC000  }
0x8e: {  	_ =	swait.ge [sflag:s19], $0x4000  }
0x8f: {  	[sflag:s19] =	ssyncset.done $0x0  }
0x90: {  	[sflag:s19] =	ssyncadd.s32 $0xFFFFC000  }
0x91: {  	[spmem:s2] =	stream.indirect.scatter.add.f32 [tilespmem:s17], [sflag:$0x3], $0x80, s21, s16, $0xb8;
	[tilespmem:$0x1E400] =	vst v63  }
0x92: {  	_ =	swait.ge [sflag:s14], $0x4000  }
0x93: {  	s26 =	sadd.s32 $0x1, s26;
	[sflag:s14] =	ssyncset.done $0x0  }
0x94: {  	p0 =	sne.s32 s26, s12;
	[sflag:s14] =	ssyncadd.s32 $0xFFFFC000  }
.Ltmp2:
0x95: {  	[bflag:$0x0] =	sbarrier.arrive $0xFFFF;
	(pc) =	sbr.rel @p0 .LBB2_1-.Ltmp2, $4  }
0x96: {  	[hbm:s11], [sflag:s6] =	dma.local [spmem:s13], $0x2780  }
0x97: {  	_ =	swait.ge [sflag:s14], $0x2780  }
0x98: {  	[sflag:s14] =	ssyncset.done $0x0  }
0x99: {  	[sflag:s14] =	ssyncadd.s32 $0xFFFFD880  }
0x9a: {  	_ =	sfence.sel $0x180000  }
0x9b: {  	[bflag:$0x0] =	sbarrier.arrive $0xFFFF  }
0x9c: {  	p0 =	sne.s32 s1, $0x0;
	_ =	strace $0x9000004A  }
0x9d: {  	s0 =	sadd.s32 @!p0 $0x100000, s0;
	[bflag:$0x2] =	sbarrier.arrive $0xFFFF  }
0x9e: {  	[sflag:s0] =	ssyncadd.tile.s32 @!p0 $0x1;
	_ =	shalt  }
.Lfunc_end2:
_tile_overlayer_lowered:
.L_overlay_start_2:
0x9f: {  	(tag) =	ssettag $0x2  }
0xa0: {  	s0 =	rddreg [dreg:$0x0];
	s2 =	stileid.u32  }
0xa1: {  	s1 =	rddreg [dreg:$0x1];
	p0 =	sne.s32 s2, $0x0  }
0xa2: {  	s3 =	rddreg [dreg:$0x2];
	[bflag:$0x3] =	sbarrier.arrive $0xFFFF;
	s2 =	simm.s32 @!p0 $0x1C03  }
0xa3: {  	[timem:s3], [sflag:s2] =	dma.local @!p0 [hbm:s0], s1  }
0xa4: {  	s0 =	simm.s32 @!p0 $0x3  }
0xa5: {  	_ =	swait.ge @!p0 [sflag:s0], s1  }
0xa6: {  	s1 =	ssub.s32 @!p0 $0x0, s1;
	[sflag:s0] =	ssyncset.done @!p0 $0x0  }
0xa7: {  	[sflag:s0] =	ssyncadd.s32 @!p0 s1  }
0xa8: {  	[bflag:$0x3] =	sbarrier.arrive $0xFFFF  }
0xa9: {  	_ =	shalt  }

// kernel: kernel.14.cloned.1.call-start
scs
__scs_entry_jumppad:
0x0: {  	(pc) =	sbr.rel $0x88, $3  }
0x1: {  	(tag) =	ssettag $0x0;
	lr =	simm.s32 $0x1  }
0x2: {  	[smem:$0x3F9B] =	sst lr;
	_ =	strace $0xD0000000  }
0x3: {  	_ = 	snop  }
0x4: {  	_ = 	snop  }
0x5: {  	_ = 	snop  }
0x6: {  	_ = 	snop  }
0x7: {  	_ = 	snop  }
__scs_overlays_trampoline_lowered:
0x8: {  	[smem:$0x3FAA] =	sst s0  }
0x9: {  	[smem:$0x3FAB] =	sst s1  }
0xa: {  	[smem:$0x3FAC] =	sst s2  }
0xb: {  	[smem:$0x3FAD] =	sst s3  }
0xc: {  	[smem:$0x3FAE] =	sst s4  }
0xd: {  	[smem:$0x3FAF] =	sst s5  }
0xe: {  	[smem:$0x3FB0] =	sst s6  }
0xf: {  	[smem:$0x3FB1] =	sst s7  }
0x10: {  	[smem:$0x3FB2] =	sst s8  }
0x11: {  	[smem:$0x3FB3] =	sst s9;
	s0 =	simm.s32 @!p0 $0x0  }
0x12: {  	s1 =	sld [smem:$0x3F99];
	s0 =	simm.s32 @p0 $0x1  }
0x13: {  	[smem:$0x3FB4] =	sst s0;
	s0 =	simm.s32 @!p1 $0x0  }
0x14: {  	s2 =	sld [smem:$0x3F98];
	s0 =	simm.s32 @p1 $0x1  }
0x15: {  	[smem:$0x3FB5] =	sst s0;
	s0 =	simm.s32 @!p2 $0x0  }
0x16: {  	s3 =	sld [smem:$0x3FDB];
	s0 =	simm.s32 @p2 $0x1  }
0x17: {  	s4 =	simm.s32 $0x1BF5;
	[smem:$0x3FB7] =	sst s0  }
0x18: {  	s0 =	sld [smem:$0x3F9A];
	_ =	swait.ge [sflag:s4], $0x0  }
0x19: {  	s7 =	sld [smem:$0x3F9B]  }
0x1a: {  	s8 =	sadd.s32 $0xFFFFE003, lr  }
0x1b: {  	s9 =	sadd.s32 $0xFFFFFEF7, lr;
	s5 =	simm.s32 $0xFFFFFFFF;
	p2 =	slt.u32 s8, $0xFFFFF086  }
0x1c: {  	p1 =	slt.u32 s9, $0xF7A;
	s5 =	simm.s32 @!p2 $0x0  }
0x1d: {  	s5 =	simm.s32 @p1 $0x1;
	p0 =	seq.s32 s7, s2  }
0x1e: {  	s7 =	smul.u32 @!p0 $0xF7A, s2;
	p2 =	seq.s32 @!p0 s5, $0x0  }
0x1f: {  	s9 =	smul.u32 $0xF7A, s1;
	s8 =	simm.s32 @!p0 $0x1BF5;
	p2 =	por !p2, p0  }
0x20: {  	[sflag:s8] =	ssyncset.s32 @!p0 $0xFFFFF086;
	s6 =	sadd.s32 @!p0 s3, s7;
	s7 =	simm.s32 @!p0 $0x108  }
0x21: {  	s3 =	sadd.s32 s3, s9;
	s6 =	sadd.s32 @!p0 $0x88, s6;
	s7 =	simm.s32 @p2 $0x1082  }
0x22: {  	[simem:s7], [sflag:s8] =	dma.local @!p0 [hbm:s6], $0xF7A  }
0x23: {  	s9 =	sor.u32 $0xD0000000, s2;
	s6 =	simm.s32 $0x108;
	_ =	swait.ge @!p0 [sflag:s8], $0x0  }
0x24: {  	s3 =	sadd.s32 $0x88, s3;
	s6 =	simm.s32 @!p1 $0x1082;
	[sflag:s4] =	ssyncset.s32 $0xFFFFF086  }
0x25: {  	[simem:s6], [sflag:s4] =	dma.local [hbm:s3], $0xF7A  }
0x26: {  	[smem:$0x3F9B] =	sst s1;
	(tag) =	ssettag s2;
	_ =	strace s9  }
0x27: {  	s1 =	sld [smem:$0x3FAB]  }
0x28: {  	s2 =	sld [smem:$0x3FAC]  }
0x29: {  	s4 =	sld [smem:$0x3FAE]  }
0x2a: {  	p0 =	seq.s32 s5, $0x0;
	s5 =	sld [smem:$0x3FAF]  }
0x2b: {  	s6 =	sld [smem:$0x3FB0]  }
0x2c: {  	s7 =	sld [smem:$0x3FB1]  }
0x2d: {  	s3 =	simm.s32 $0x108;
	s8 =	sld [smem:$0x3FB2]  }
0x2e: {  	s3 =	simm.s32 @!p0 $0x1082;
	s9 =	sld [smem:$0x3FB3]  }
0x2f: {  	lr =	sadd.s32 s0, s3;
	s0 =	sld [smem:$0x3FAA]  }
0x30: {  	s3 =	sld [smem:$0x3FAD]  }
0x31: {  	[smem:$0x3FB6] =	sst s10  }
0x32: {  	s10 =	sld [smem:$0x3FB4];
	_ =	sdelay $0x3  }
0x33: {  	p0 =	seq.s32 s10, $0x1;
	s10 =	sld [smem:$0x3FB6];
	_ =	sdelay $0x3  }
0x34: {  	[smem:$0x3FB6] =	sst s10  }
0x35: {  	s10 =	sld [smem:$0x3FB5];
	_ =	sdelay $0x3  }
0x36: {  	p1 =	seq.s32 s10, $0x1;
	s10 =	sld [smem:$0x3FB6];
	_ =	sdelay $0x3  }
0x37: {  	[smem:$0x3FB6] =	sst s10  }
0x38: {  	s10 =	sld [smem:$0x3FB7]  }
0x39: {  	_ = 	snop;
	(pc) =	sbr.ind lr, $3  }
0x3a: {  	_ = 	snop  }
0x3b: {  	_ = 	snop  }
0x3c: {  	p2 =	seq.s32 s10, $0x1;
	s10 =	sld [smem:$0x3FB6]  }
0x3d: {  	_ =	shalt  }
0x3e: {  	_ =	shalt  }
0x3f: {  	_ =	shalt  }
0x40: {  	_ =	shalt  }
0x41: {  	_ =	shalt  }
0x42: {  	_ =	shalt  }
0x43: {  	_ =	shalt  }
0x44: {  	_ =	shalt  }
0x45: {  	_ =	shalt  }
0x46: {  	_ =	shalt  }
0x47: {  	_ =	shalt  }
0x48: {  	_ =	shalt  }
0x49: {  	_ =	shalt  }
0x4a: {  	_ =	shalt  }
0x4b: {  	_ =	shalt  }
0x4c: {  	_ =	shalt  }
0x4d: {  	_ =	shalt  }
0x4e: {  	_ =	shalt  }
0x4f: {  	_ =	shalt  }
0x50: {  	_ =	shalt  }
0x51: {  	_ =	shalt  }
0x52: {  	_ =	shalt  }
0x53: {  	_ =	shalt  }
0x54: {  	_ =	shalt  }
0x55: {  	_ =	shalt  }
0x56: {  	_ =	shalt  }
0x57: {  	_ =	shalt  }
0x58: {  	_ =	shalt  }
0x59: {  	_ =	shalt  }
0x5a: {  	_ =	shalt  }
0x5b: {  	_ =	shalt  }
0x5c: {  	_ =	shalt  }
0x5d: {  	_ =	shalt  }
0x5e: {  	_ =	shalt  }
0x5f: {  	_ =	shalt  }
0x60: {  	_ =	shalt  }
0x61: {  	_ =	shalt  }
0x62: {  	_ =	shalt  }
0x63: {  	_ =	shalt  }
0x64: {  	_ =	shalt  }
0x65: {  	_ =	shalt  }
0x66: {  	_ =	shalt  }
0x67: {  	_ =	shalt  }
0x68: {  	_ =	shalt  }
0x69: {  	_ =	shalt  }
0x6a: {  	_ =	shalt  }
0x6b: {  	_ =	shalt  }
0x6c: {  	_ =	shalt  }
0x6d: {  	_ =	shalt  }
0x6e: {  	_ =	shalt  }
0x6f: {  	_ =	shalt  }
0x70: {  	_ =	shalt  }
0x71: {  	_ =	shalt  }
0x72: {  	_ =	shalt  }
0x73: {  	_ =	shalt  }
0x74: {  	_ =	shalt  }
0x75: {  	_ =	shalt  }
0x76: {  	_ =	shalt  }
0x77: {  	_ =	shalt  }
0x78: {  	_ =	shalt  }
0x79: {  	_ =	shalt  }
0x7a: {  	_ =	shalt  }
0x7b: {  	_ =	shalt  }
0x7c: {  	_ =	shalt  }
0x7d: {  	_ =	shalt  }
0x7e: {  	_ =	shalt  }
0x7f: {  	_ =	shalt  }
0x80: {  	_ =	shalt  }
0x81: {  	_ =	shalt  }
0x82: {  	_ =	shalt  }
0x83: {  	_ =	shalt  }
0x84: {  	_ =	shalt  }
0x85: {  	_ =	shalt  }
0x86: {  	_ =	shalt  }
0x87: {  	_ =	shalt  }
.Lfunc_end0:
.L_simem_size_0:
called_computation.2_lowered:
.L_overlay_start_0:
0x88: {  	s2 =	sld [smem:$0x3FD9]  }
0x89: {  	s3 =	sld [smem:$0x3FFE];
	_ =	sdelay $0x1  }
0x8a: {  	s1 =	srdreg.scid  }
0x8b: {  	s0 =	sand.u32 $0x1, s1  }
0x8c: {  	s17 =	sshll.u32 s0, $0xA;
	s2 =	sadd.s32 s3, s2  }
0x8d: {  	s2 =	sadd.s32 s2, s17  }
0x8e: {  	[smem:$0x3FC2] =	sst s2  }
0x8f: {  	_ = 	snop  }
0x90: {  	s2 =	sld [smem:$0x3FD0];
	(tm) =	ssettm $0x1  }
0x91: {  	s18 =	sld [smem:$0x3FFB];
	_ =	sdelay $0x3  }
0x92: {  	_ =	strace s18  }
0x93: {  	s3 =	sld [smem:$0x3FFC];
	_ =	sdelay $0x3  }
0x94: {  	_ =	strace s3  }
0x95: {  	s3 =	sld [smem:$0x3FFD];
	_ =	sdelay $0x3  }
0x96: {  	_ =	strace s3  }
0x97: {  	_ =	strace $0x8FFFFFFF  }
0x98: {  	s19 =	sld [smem:$0x3FDB];
	_ =	sdelay $0x1  }
0x99: {  	s4 =	simm.s32 $_scs_section_size  }
0x9a: {  	s5 =	simm.s32 $_size__tile_overlayer_lowered;
	s6 =	simm.s32 $_tile_overlayer_lowered  }
0x9b: {  	s22 =	simm.s32 $0x1BFF;
	s21 =	sshll.u32 s6, $0x1;
	s3 =	sadd.s32 s4, s19  }
0x9c: {  	s7 =	simm.s32 $0x0;
	s20 =	sshll.u32 s5, $0x1;
	s5 =	sadd.s32 s21, s3  }
0x9d: {  	[timem:s7], [sflag:s22] =	dma.local [hbm:s5], s20  }
0x9e: {  	_ =	swait.ge [sflag:s22], s20  }
0x9f: {  	s4 =	ssub.s32 $0x0, s20;
	[sflag:s22] =	ssyncset.done $0x0  }
0xa0: {  	[sflag:s22] =	ssyncadd.s32 s4;
	_ =	sdelay $0x1  }
0xa1: {  	s23 =	simm.s32 $0x1B8B  }
0xa2: {  	_ =	swait.ge [sflag:s23], $0x1  }
0xa3: {  	[sflag:s23] =	ssyncset.done $0x0  }
0xa4: {  	s25 =	simm.s32 $0x1B8E;
	s24 =	sld [smem:$0x3FFE];
	[sflag:s23] =	ssyncadd.s32 $0xFFFFFFFF  }
0xa5: {  	s26 =	simm.s32 $execute0_lowered;
	[smem:$0x3FD2] =	sst s25  }
0xa6: {  	s5 =	sshll.u32 s26, $0x1;
	_ =	strace $0x8000004C;
	[dreg:$0x1] =	wrdreg $0xFFFFFFFF  }
0xa7: {  	s28 =	simm.s32 $_size_execute0_lowered;
	s3 =	sadd.s32 s3, s5;
	[dreg:$0x0] =	wrdreg $0x0  }
0xa8: {  	s5 =	sshll.u32 s28, $0x1;
	[dreg:$0x2] =	wrdreg s3  }
0xa9: {  	[dreg:$0x3] =	wrdreg s5  }
0xaa: {  	[dreg:$0x4] =	wrdreg $0xC0  }
0xab: {  	_ =	task [dreg:s7], $0x5FFFF  }
0xac: {  	[dreg:$0x1] =	wrdreg $0xFFFFFFFF  }
0xad: {  	[dreg:$0x0] =	wrdreg $0x60  }
0xae: {  	[dreg:$0x2] =	wrdreg s24  }
0xaf: {  	[dreg:$0x3] =	wrdreg s2  }
0xb0: {  	[dreg:$0x4] =	wrdreg $0xA8000  }
0xb1: {  	[dreg:$0x5] =	wrdreg $0x9  }
0xb2: {  	_ =	task.clear_ibuf [dreg:s7], $0x6FFFF;
	_ =	strace $0x9000004C  }
0xb3: {  	s29 =	simm.s32 $0x9;
	_ =	strace $0x8000004E  }
0xb4: {  	_ =	swait.ge [sflag:s29], $0x1  }
0xb5: {  	[sflag:s29] =	ssyncadd.s32 $0xFFFFFFFF  }
0xb6: {  	_ =	strace $0x9000004E  }
0xb7: {  	_ =	sfence  }
0xb8: {  	s30 =	sld [smem:$0x0];
	_ =	sdelay $0x2  }
0xb9: {  	s31 =	sshll.u32 s1, $0xD;
	s1 =	sshrl.u32 s1, $0x2  }
0xba: {  	s3 =	sand.u32 $0x4000, s31;
	s1 =	sadd.s32 s1, s30  }
0xbb: {  	s0 =	sor.u32 s3, s0;
	s1 =	sshll.u32 s1, $0x11  }
0xbc: {  	s0 =	sor.u32 s1, s0  }
0xbd: {  	s0 =	sadd.s32 $0x8F2B, s0  }
0xbe: {  	[sflag:s0] =	ssyncadd.remote.s32 $0x1  }
0xbf: {  	_ =	sfence.sel $0xFFFF  }
0xc0: {  	[dreg:$0x0] =	wrdreg $0xFFFFFFFF;
	(pc) =	sbr.abs _section_cstart, $3  }
0xc1: {  	[dreg:$0x1] =	wrdreg $0xFFFFFFFF  }
0xc2: {  	_ =	task.clear_ibuf [dreg:s7], $0x2FFFF;
	_ =	strace $0x9FFFFFFF  }
0xc3: {  	(tm) =	ssettm $0x7FFFFFFF  }
tec
execute0_lowered:
.L_overlay_start_1:
0x0: {  	(tag) =	ssettag $0x1  }
0x1: {  	s6 =	rddreg [dreg:$0x0]  }
0x2: {  	s10 =	rddreg [dreg:$0x1]  }
0x3: {  	s2 =	rddreg [dreg:$0x2]  }
0x4: {  	s0 =	rddreg [dreg:$0x3];
	s4 =	srdreg.scid  }
0x5: {  	s1 =	stileid.u32;
	s3 =	simm.s32 $0x0;
	s16 =	simm.s32 $0x80  }
0x6: {  	s17 =	simm.s32 $0x2800;
	s18 =	simm.s32 $0x6800;
	s19 =	simm.s32 $0x1  }
0x7: {  	s20 =	simm.s32 $0x2;
	s21 =	simm.s32 $0x2700;
	s22 =	simm.s32 $0x2780  }
0x8: {  	s23 =	simm.s32 $0x2600;
	s24 =	simm.s32 $0x1300;
	s7 =	sand.u32 $0x1, s4  }
0x9: {  	s8 =	smul.u32 $0x2780, s1;
	[smem:$0x7FF] =	sst s3;
	s4 =	sadd.s32 $0x4C00, s6  }
0xa: {  	s11 =	sadd.s32 $0x53C00, s6;
	s5 =	sadd.s32 $0x2400, s6;
	s26 =	smul.u32 $0x4F000, s1  }
0xb: {  	s25 =	sshll.u32 s1, $0x1;
	s30 =	sshll.u32 s1, $0x6;
	s9 =	smul.u32 $0x27800, s7  }
0xc: {  	_ =	strace $0x8000004D;
	s12 =	ssub.s32 $0x2, s7;
	s7 =	sor.u32 s7, s25  }
0xd: {  	s25 =	simm.s32 $0x2680;
	s28 =	sshrl.u32 s12, $0x1;
	s7 =	smul.u32 $0x2800, s7  }
0xe: {  	s29 =	sshrl.u32 s26, $0x2;
	s26 =	simm.s32 $0x0;
	s8 =	sadd.s32 s8, s9  }
0xf: {  	s12 =	ssub.s32 s12, s28;
	s14 =	sadd.s32 s29, s2;
	s13 =	sadd.s32 s8, s6  }
0x10: {  	s6 =	sor.u32 $0x1C03, s30;
	s31 =	sshrl.u32 s7, $0x3;
	s12 =	smax.u32 s12, $0x1  }
0x11: {  	s7 =	sadd.s32 s11, s31;
	s8 =	sadd.s32 s10, s31;
	s15 =	sadd.s32 $0x280, s31  }
0x12: {  	s9 =	sadd.s32 s11, s15;
	s10 =	sadd.s32 s10, s15;
	s11 =	sadd.s32 $0x5DC00, s13  }
0x13: {  	s13 =	sshrl.u32 s14, $0x3;
	s14 =	simm.s32 $0x3;
	s15 =	simm.s32 $0x1400  }
.LBB2_1:
0x14: {  	[spmem:s13], [sflag:s6] =	dma.local [hbm:s5], $0x2780  }
0x15: {  	_ =	swait.ge [sflag:s14], $0x2780  }
0x16: {  	[sflag:s14] =	ssyncset.done $0x0  }
0x17: {  	[sflag:s14] =	ssyncadd.s32 $0xFFFFD880  }
0x18: {  	[tilespmem:s3], [sflag:$0x3] =	stream.linear.gather [hbm4b:s7+s3], $0x1400, $0x38;
	[tilespmem:$0x1E400] =	vst v63  }
0x19: {  	_ =	swait.ge [sflag:s14], $0x1400  }
0x1a: {  	[sflag:s14] =	ssyncset.done $0x0  }
0x1b: {  	[sflag:s14] =	ssyncadd.s32 $0xFFFFEC00  }
0x1c: {  	[tilespmem:s15], [sflag:$0x3] =	stream.linear.gather [hbm4b:s8+s3], $0x1400, $0x38;
	[tilespmem:$0x1E400] =	vst v63  }
0x1d: {  	_ =	swait.ge [sflag:s14], $0x1400  }
0x1e: {  	[sflag:s14] =	ssyncset.done $0x0  }
0x1f: {  	[sflag:s14] =	ssyncadd.s32 $0xFFFFEC00  }
0x20: {  	[tilespmem:s17], [sflag:$0x1] =	stream.indirect.gather [hbm4b:s4+s16], $0x80, s3, s16, $0xb8;
	[tilespmem:$0x1E400] =	vst v63  }
0x21: {  	_ = 	snop  }
0x22: {  	[tilespmem:s18], [sflag:$0x2] =	stream.indirect.gather [hbm4b:s4+s16], $0x80, s16, s16, $0xb8;
	[tilespmem:$0x1E400] =	vst v63  }
0x23: {  	[bflag:$0x0] =	sbarrier.arrive $0xFFFF  }
0x24: {  	_ =	swait.ge [sflag:s19], $0x4000  }
0x25: {  	[sflag:s19] =	ssyncset.done $0x0  }
0x26: {  	s28 =	simm.s32 $0x1400;
	[sflag:s19] =	ssyncadd.s32 $0xFFFFC000  }
0x27: {  	[spmem:s2] =	stream.indirect.scatter.add.f32 [tilespmem:s17], [sflag:$0x3], $0x80, s28, s16, $0xb8;
	[tilespmem:$0x1E400] =	vst v63  }
0x28: {  	_ =	swait.ge [sflag:s14], $0x4000  }
0x29: {  	[sflag:s14] =	ssyncset.done $0x0  }
0x2a: {  	s28 =	simm.s32 $0x100;
	[sflag:s14] =	ssyncadd.s32 $0xFFFFC000  }
0x2b: {  	[tilespmem:s17], [sflag:$0x1] =	stream.indirect.gather [hbm4b:s4+s16], $0x80, s28, s16, $0xb8;
	[tilespmem:$0x1E400] =	vst v63  }
0x2c: {  	_ =	swait.ge [sflag:s20], $0x4000  }
0x2d: {  	[sflag:s20] =	ssyncset.done $0x0  }
0x2e: {  	s28 =	simm.s32 $0x1480;
	[sflag:s20] =	ssyncadd.s32 $0xFFFFC000  }
0x2f: {  	[spmem:s2] =	stream.indirect.scatter.add.f32 [tilespmem:s18], [sflag:$0x3], $0x80, s28, s16, $0xb8;
	[tilespmem:$0x1E400] =	vst v63  }
0x30: {  	_ =	swait.ge [sflag:s14], $0x4000  }
0x31: {  	[sflag:s14] =	ssyncset.done $0x0  }
0x32: {  	s29 =	simm.s32 $0x180;
	s28 =	simm.s32 $0x400;
	[sflag:s14] =	ssyncadd.s32 $0xFFFFC000  }
.LBB2_2:
0x33: {  	[tilespmem:s18], [sflag:$0x2] =	stream.indirect.gather [hbm4b:s4+s16], $0x80, s29, s16, $0xb8;
	[tilespmem:$0x1E400] =	vst v63  }
0x34: {  	s29 =	smov.u32 s28  }
0x35: {  	p0 =	sne.s32 s28, $0x4800;
	s28 =	sadd.s32 $0x400, s28;
	_ =	swait.ge [sflag:s19], $0x4000  }
0x36: {  	s29 =	sshra.s32 s29, $0x2;
	[sflag:s19] =	ssyncset.done $0x0  }
0x37: {  	s30 =	sadd.s32 $0x1400, s29;
	[sflag:s19] =	ssyncadd.s32 $0xFFFFC000  }
0x38: {  	[spmem:s2] =	stream.indirect.scatter.add.f32 [tilespmem:s17], [sflag:$0x3], $0x80, s30, s16, $0xb8;
	[tilespmem:$0x1E400] =	vst v63  }
0x39: {  	_ =	swait.ge [sflag:s14], $0x4000  }
0x3a: {  	[sflag:s14] =	ssyncset.done $0x0  }
0x3b: {  	s30 =	sadd.s32 $0x100, s29;
	[sflag:s14] =	ssyncadd.s32 $0xFFFFC000  }
0x3c: {  	[tilespmem:s17], [sflag:$0x1] =	stream.indirect.gather [hbm4b:s4+s16], $0x80, s30, s16, $0xb8;
	[tilespmem:$0x1E400] =	vst v63  }
0x3d: {  	_ =	swait.ge [sflag:s20], $0x4000  }
0x3e: {  	[sflag:s20] =	ssyncset.done $0x0  }
.Ltmp0:
0x3f: {  	s30 =	sadd.s32 $0x1480, s29;
	[sflag:s20] =	ssyncadd.s32 $0xFFFFC000;
	(pc) =	sbr.rel @p0 .LBB2_2-.Ltmp0, $4  }
0x40: {  	[spmem:s2] =	stream.indirect.scatter.add.f32 [tilespmem:s18], [sflag:$0x3], $0x80, s30, s16, $0xb8;
	[tilespmem:$0x1E400] =	vst v63  }
0x41: {  	_ =	swait.ge [sflag:s14], $0x4000  }
0x42: {  	[sflag:s14] =	ssyncset.done $0x0  }
0x43: {  	s29 =	sadd.s32 $0x180, s29;
	[sflag:s14] =	ssyncadd.s32 $0xFFFFC000  }
0x44: {  	[tilespmem:s18], [sflag:$0x2] =	stream.indirect.gather [hbm4b:s4+s16], $0x80, s29, s16, $0xb8;
	[tilespmem:$0x1E400] =	vst v63  }
0x45: {  	_ =	swait.ge [sflag:s19], $0x4000  }
0x46: {  	[sflag:s19] =	ssyncset.done $0x0  }
0x47: {  	[sflag:s19] =	ssyncadd.s32 $0xFFFFC000  }
0x48: {  	[spmem:s2] =	stream.indirect.scatter.add.f32 [tilespmem:s17], [sflag:$0x3], $0x80, s21, s16, $0xb8;
	[tilespmem:$0x1E400] =	vst v63  }
0x49: {  	_ =	swait.ge [sflag:s14], $0x4000  }
0x4a: {  	[sflag:s14] =	ssyncset.done $0x0  }
0x4b: {  	[sflag:s14] =	ssyncadd.s32 $0xFFFFC000  }
0x4c: {  	_ =	swait.ge [sflag:s20], $0x4000  }
0x4d: {  	[sflag:s20] =	ssyncset.done $0x0  }
0x4e: {  	[sflag:s20] =	ssyncadd.s32 $0xFFFFC000  }
0x4f: {  	[spmem:s2] =	stream.indirect.scatter.add.f32 [tilespmem:s18], [sflag:$0x3], $0x80, s22, s16, $0xb8;
	[tilespmem:$0x1E400] =	vst v63  }
0x50: {  	_ =	swait.ge [sflag:s14], $0x4000  }
0x51: {  	[sflag:s14] =	ssyncset.done $0x0  }
0x52: {  	s28 =	simm.s32 $0x0;
	[sflag:s14] =	ssyncadd.s32 $0xFFFFC000  }
0x53: {  	[tilespmem:s28], [sflag:$0x3] =	stream.linear.gather [hbm4b:s9+s28], $0x1380, $0x38;
	[tilespmem:$0x1E400] =	vst v63  }
0x54: {  	_ =	swait.ge [sflag:s14], $0x1380  }
0x55: {  	[sflag:s14] =	ssyncset.done $0x0  }
0x56: {  	[sflag:s14] =	ssyncadd.s32 $0xFFFFEC80  }
0x57: {  	[tilespmem:s15], [sflag:$0x3] =	stream.linear.gather [hbm4b:s10+s28], $0x1380, $0x38;
	[tilespmem:$0x1E400] =	vst v63  }
0x58: {  	_ =	swait.ge [sflag:s14], $0x1380  }
0x59: {  	[sflag:s14] =	ssyncset.done $0x0  }
0x5a: {  	[sflag:s14] =	ssyncadd.s32 $0xFFFFEC80  }
0x5b: {  	[tilespmem:s17], [sflag:$0x1] =	stream.indirect.gather [hbm4b:s4+s16], $0x80, s28, s16, $0xb8;
	[tilespmem:$0x1E400] =	vst v63  }
0x5c: {  	_ = 	snop  }
0x5d: {  	[tilespmem:s18], [sflag:$0x2] =	stream.indirect.gather [hbm4b:s4+s16], $0x80, s16, s16, $0xb8;
	[tilespmem:$0x1E400] =	vst v63  }
0x5e: {  	_ =	swait.ge [sflag:s19], $0x4000  }
0x5f: {  	[sflag:s19] =	ssyncset.done $0x0  }
0x60: {  	s28 =	simm.s32 $0x1400;
	[sflag:s19] =	ssyncadd.s32 $0xFFFFC000  }
0x61: {  	[spmem:s2] =	stream.indirect.scatter.add.f32 [tilespmem:s17], [sflag:$0x3], $0x80, s28, s16, $0xb8;
	[tilespmem:$0x1E400] =	vst v63  }
0x62: {  	_ =	swait.ge [sflag:s14], $0x4000  }
0x63: {  	[sflag:s14] =	ssyncset.done $0x0  }
0x64: {  	s28 =	simm.s32 $0x100;
	[sflag:s14] =	ssyncadd.s32 $0xFFFFC000  }
0x65: {  	[tilespmem:s17], [sflag:$0x1] =	stream.indirect.gather [hbm4b:s4+s16], $0x80, s28, s16, $0xb8;
	[tilespmem:$0x1E400] =	vst v63  }
0x66: {  	_ =	swait.ge [sflag:s20], $0x4000  }
0x67: {  	[sflag:s20] =	ssyncset.done $0x0  }
0x68: {  	s28 =	simm.s32 $0x1480;
	[sflag:s20] =	ssyncadd.s32 $0xFFFFC000  }
0x69: {  	[spmem:s2] =	stream.indirect.scatter.add.f32 [tilespmem:s18], [sflag:$0x3], $0x80, s28, s16, $0xb8;
	[tilespmem:$0x1E400] =	vst v63  }
0x6a: {  	_ =	swait.ge [sflag:s14], $0x4000  }
0x6b: {  	[sflag:s14] =	ssyncset.done $0x0  }
0x6c: {  	s29 =	simm.s32 $0x180;
	s28 =	simm.s32 $0x400;
	[sflag:s14] =	ssyncadd.s32 $0xFFFFC000  }
.LBB2_4:
0x6d: {  	[tilespmem:s18], [sflag:$0x2] =	stream.indirect.gather [hbm4b:s4+s16], $0x80, s29, s16, $0xb8;
	[tilespmem:$0x1E400] =	vst v63  }
0x6e: {  	s29 =	smov.u32 s28  }
0x6f: {  	p0 =	sne.s32 s28, $0x4400;
	s28 =	sadd.s32 $0x400, s28;
	_ =	swait.ge [sflag:s19], $0x4000  }
0x70: {  	s29 =	sshra.s32 s29, $0x2;
	[sflag:s19] =	ssyncset.done $0x0  }
0x71: {  	s30 =	sadd.s32 $0x1400, s29;
	[sflag:s19] =	ssyncadd.s32 $0xFFFFC000  }
0x72: {  	[spmem:s2] =	stream.indirect.scatter.add.f32 [tilespmem:s17], [sflag:$0x3], $0x80, s30, s16, $0xb8;
	[tilespmem:$0x1E400] =	vst v63  }
0x73: {  	_ =	swait.ge [sflag:s14], $0x4000  }
0x74: {  	[sflag:s14] =	ssyncset.done $0x0  }
0x75: {  	s30 =	sadd.s32 $0x100, s29;
	[sflag:s14] =	ssyncadd.s32 $0xFFFFC000  }
0x76: {  	[tilespmem:s17], [sflag:$0x1] =	stream.indirect.gather [hbm4b:s4+s16], $0x80, s30, s16, $0xb8;
	[tilespmem:$0x1E400] =	vst v63  }
0x77: {  	_ =	swait.ge [sflag:s20], $0x4000  }
0x78: {  	[sflag:s20] =	ssyncset.done $0x0  }
.Ltmp1:
0x79: {  	s30 =	sadd.s32 $0x1480, s29;
	[sflag:s20] =	ssyncadd.s32 $0xFFFFC000;
	(pc) =	sbr.rel @p0 .LBB2_4-.Ltmp1, $4  }
0x7a: {  	[spmem:s2] =	stream.indirect.scatter.add.f32 [tilespmem:s18], [sflag:$0x3], $0x80, s30, s16, $0xb8;
	[tilespmem:$0x1E400] =	vst v63  }
0x7b: {  	_ =	swait.ge [sflag:s14], $0x4000  }
0x7c: {  	[sflag:s14] =	ssyncset.done $0x0  }
0x7d: {  	s29 =	sadd.s32 $0x180, s29;
	[sflag:s14] =	ssyncadd.s32 $0xFFFFC000  }
0x7e: {  	[tilespmem:s18], [sflag:$0x2] =	stream.indirect.gather [hbm4b:s4+s16], $0x80, s29, s16, $0xb8;
	[tilespmem:$0x1E400] =	vst v63  }
0x7f: {  	_ =	swait.ge [sflag:s19], $0x4000  }
0x80: {  	[sflag:s19] =	ssyncset.done $0x0  }
0x81: {  	[sflag:s19] =	ssyncadd.s32 $0xFFFFC000  }
0x82: {  	[spmem:s2] =	stream.indirect.scatter.add.f32 [tilespmem:s17], [sflag:$0x3], $0x80, s23, s16, $0xb8;
	[tilespmem:$0x1E400] =	vst v63  }
0x83: {  	_ =	swait.ge [sflag:s14], $0x4000  }
0x84: {  	[sflag:s14] =	ssyncset.done $0x0  }
0x85: {  	[sflag:s14] =	ssyncadd.s32 $0xFFFFC000  }
0x86: {  	[tilespmem:s17], [sflag:$0x1] =	stream.indirect.gather [hbm4b:s4+s16], $0x80, s24, s16, $0xb8;
	[tilespmem:$0x1E400] =	vst v63  }
0x87: {  	_ =	swait.ge [sflag:s20], $0x4000  }
0x88: {  	[sflag:s20] =	ssyncset.done $0x0  }
0x89: {  	[sflag:s20] =	ssyncadd.s32 $0xFFFFC000  }
0x8a: {  	[spmem:s2] =	stream.indirect.scatter.add.f32 [tilespmem:s18], [sflag:$0x3], $0x80, s25, s16, $0xb8;
	[tilespmem:$0x1E400] =	vst v63  }
0x8b: {  	_ =	swait.ge [sflag:s14], $0x4000  }
0x8c: {  	[sflag:s14] =	ssyncset.done $0x0  }
0x8d: {  	[sflag:s14] =	ssyncadd.s32 $0xFFFFC000  }
0x8e: {  	_ =	swait.ge [sflag:s19], $0x4000  }
0x8f: {  	[sflag:s19] =	ssyncset.done $0x0  }
0x90: {  	[sflag:s19] =	ssyncadd.s32 $0xFFFFC000  }
0x91: {  	[spmem:s2] =	stream.indirect.scatter.add.f32 [tilespmem:s17], [sflag:$0x3], $0x80, s21, s16, $0xb8;
	[tilespmem:$0x1E400] =	vst v63  }
0x92: {  	_ =	swait.ge [sflag:s14], $0x4000  }
0x93: {  	s26 =	sadd.s32 $0x1, s26;
	[sflag:s14] =	ssyncset.done $0x0  }
0x94: {  	p0 =	sne.s32 s26, s12;
	[sflag:s14] =	ssyncadd.s32 $0xFFFFC000  }
.Ltmp2:
0x95: {  	[bflag:$0x0] =	sbarrier.arrive $0xFFFF;
	(pc) =	sbr.rel @p0 .LBB2_1-.Ltmp2, $4  }
0x96: {  	[hbm:s11], [sflag:s6] =	dma.local [spmem:s13], $0x2780  }
0x97: {  	_ =	swait.ge [sflag:s14], $0x2780  }
0x98: {  	[sflag:s14] =	ssyncset.done $0x0  }
0x99: {  	[sflag:s14] =	ssyncadd.s32 $0xFFFFD880  }
0x9a: {  	_ =	sfence.sel $0x180000  }
0x9b: {  	[bflag:$0x0] =	sbarrier.arrive $0xFFFF  }
0x9c: {  	p0 =	sne.s32 s1, $0x0;
	_ =	strace $0x9000004D  }
0x9d: {  	s0 =	sadd.s32 @!p0 $0x100000, s0;
	[bflag:$0x2] =	sbarrier.arrive $0xFFFF  }
0x9e: {  	[sflag:s0] =	ssyncadd.tile.s32 @!p0 $0x1;
	_ =	shalt  }
.Lfunc_end2:
_tile_overlayer_lowered:
.L_overlay_start_2:
0x9f: {  	(tag) =	ssettag $0x2  }
0xa0: {  	s0 =	rddreg [dreg:$0x0];
	s2 =	stileid.u32  }
0xa1: {  	s1 =	rddreg [dreg:$0x1];
	p0 =	sne.s32 s2, $0x0  }
0xa2: {  	s3 =	rddreg [dreg:$0x2];
	[bflag:$0x3] =	sbarrier.arrive $0xFFFF;
	s2 =	simm.s32 @!p0 $0x1C03  }
0xa3: {  	[timem:s3], [sflag:s2] =	dma.local @!p0 [hbm:s0], s1  }
0xa4: {  	s0 =	simm.s32 @!p0 $0x3  }
0xa5: {  	_ =	swait.ge @!p0 [sflag:s0], s1  }
0xa6: {  	s1 =	ssub.s32 @!p0 $0x0, s1;
	[sflag:s0] =	ssyncset.done @!p0 $0x0  }
0xa7: {  	[sflag:s0] =	ssyncadd.s32 @!p0 s1  }
0xa8: {  	[bflag:$0x3] =	sbarrier.arrive $0xFFFF  }
0xa9: {  	_ =	shalt  }

// kernel: kernel.8.cloned.1.call-start
scs
__scs_entry_jumppad:
0x0: {  	(pc) =	sbr.rel $0x88, $3  }
0x1: {  	(tag) =	ssettag $0x0;
	lr =	simm.s32 $0x1  }
0x2: {  	[smem:$0x3F9B] =	sst lr;
	_ =	strace $0xD0000000  }
0x3: {  	_ = 	snop  }
0x4: {  	_ = 	snop  }
0x5: {  	_ = 	snop  }
0x6: {  	_ = 	snop  }
0x7: {  	_ = 	snop  }
__scs_overlays_trampoline_lowered:
0x8: {  	[smem:$0x3FAA] =	sst s0  }
0x9: {  	[smem:$0x3FAB] =	sst s1  }
0xa: {  	[smem:$0x3FAC] =	sst s2  }
0xb: {  	[smem:$0x3FAD] =	sst s3  }
0xc: {  	[smem:$0x3FAE] =	sst s4  }
0xd: {  	[smem:$0x3FAF] =	sst s5  }
0xe: {  	[smem:$0x3FB0] =	sst s6  }
0xf: {  	[smem:$0x3FB1] =	sst s7  }
0x10: {  	[smem:$0x3FB2] =	sst s8  }
0x11: {  	[smem:$0x3FB3] =	sst s9;
	s0 =	simm.s32 @!p0 $0x0  }
0x12: {  	s1 =	sld [smem:$0x3F99];
	s0 =	simm.s32 @p0 $0x1  }
0x13: {  	[smem:$0x3FB4] =	sst s0;
	s0 =	simm.s32 @!p1 $0x0  }
0x14: {  	s2 =	sld [smem:$0x3F98];
	s0 =	simm.s32 @p1 $0x1  }
0x15: {  	[smem:$0x3FB5] =	sst s0;
	s0 =	simm.s32 @!p2 $0x0  }
0x16: {  	s3 =	sld [smem:$0x3FDB];
	s0 =	simm.s32 @p2 $0x1  }
0x17: {  	s4 =	simm.s32 $0x1BF5;
	[smem:$0x3FB7] =	sst s0  }
0x18: {  	s0 =	sld [smem:$0x3F9A];
	_ =	swait.ge [sflag:s4], $0x0  }
0x19: {  	s7 =	sld [smem:$0x3F9B]  }
0x1a: {  	s8 =	sadd.s32 $0xFFFFE003, lr  }
0x1b: {  	s9 =	sadd.s32 $0xFFFFFEF7, lr;
	s5 =	simm.s32 $0xFFFFFFFF;
	p2 =	slt.u32 s8, $0xFFFFF086  }
0x1c: {  	p1 =	slt.u32 s9, $0xF7A;
	s5 =	simm.s32 @!p2 $0x0  }
0x1d: {  	s5 =	simm.s32 @p1 $0x1;
	p0 =	seq.s32 s7, s2  }
0x1e: {  	s7 =	smul.u32 @!p0 $0xF7A, s2;
	p2 =	seq.s32 @!p0 s5, $0x0  }
0x1f: {  	s9 =	smul.u32 $0xF7A, s1;
	s8 =	simm.s32 @!p0 $0x1BF5;
	p2 =	por !p2, p0  }
0x20: {  	[sflag:s8] =	ssyncset.s32 @!p0 $0xFFFFF086;
	s6 =	sadd.s32 @!p0 s3, s7;
	s7 =	simm.s32 @!p0 $0x108  }
0x21: {  	s3 =	sadd.s32 s3, s9;
	s6 =	sadd.s32 @!p0 $0x88, s6;
	s7 =	simm.s32 @p2 $0x1082  }
0x22: {  	[simem:s7], [sflag:s8] =	dma.local @!p0 [hbm:s6], $0xF7A  }
0x23: {  	s9 =	sor.u32 $0xD0000000, s2;
	s6 =	simm.s32 $0x108;
	_ =	swait.ge @!p0 [sflag:s8], $0x0  }
0x24: {  	s3 =	sadd.s32 $0x88, s3;
	s6 =	simm.s32 @!p1 $0x1082;
	[sflag:s4] =	ssyncset.s32 $0xFFFFF086  }
0x25: {  	[simem:s6], [sflag:s4] =	dma.local [hbm:s3], $0xF7A  }
0x26: {  	[smem:$0x3F9B] =	sst s1;
	(tag) =	ssettag s2;
	_ =	strace s9  }
0x27: {  	s1 =	sld [smem:$0x3FAB]  }
0x28: {  	s2 =	sld [smem:$0x3FAC]  }
0x29: {  	s4 =	sld [smem:$0x3FAE]  }
0x2a: {  	p0 =	seq.s32 s5, $0x0;
	s5 =	sld [smem:$0x3FAF]  }
0x2b: {  	s6 =	sld [smem:$0x3FB0]  }
0x2c: {  	s7 =	sld [smem:$0x3FB1]  }
0x2d: {  	s3 =	simm.s32 $0x108;
	s8 =	sld [smem:$0x3FB2]  }
0x2e: {  	s3 =	simm.s32 @!p0 $0x1082;
	s9 =	sld [smem:$0x3FB3]  }
0x2f: {  	lr =	sadd.s32 s0, s3;
	s0 =	sld [smem:$0x3FAA]  }
0x30: {  	s3 =	sld [smem:$0x3FAD]  }
0x31: {  	[smem:$0x3FB6] =	sst s10  }
0x32: {  	s10 =	sld [smem:$0x3FB4];
	_ =	sdelay $0x3  }
0x33: {  	p0 =	seq.s32 s10, $0x1;
	s10 =	sld [smem:$0x3FB6];
	_ =	sdelay $0x3  }
0x34: {  	[smem:$0x3FB6] =	sst s10  }
0x35: {  	s10 =	sld [smem:$0x3FB5];
	_ =	sdelay $0x3  }
0x36: {  	p1 =	seq.s32 s10, $0x1;
	s10 =	sld [smem:$0x3FB6];
	_ =	sdelay $0x3  }
0x37: {  	[smem:$0x3FB6] =	sst s10  }
0x38: {  	s10 =	sld [smem:$0x3FB7]  }
0x39: {  	_ = 	snop;
	(pc) =	sbr.ind lr, $3  }
0x3a: {  	_ = 	snop  }
0x3b: {  	_ = 	snop  }
0x3c: {  	p2 =	seq.s32 s10, $0x1;
	s10 =	sld [smem:$0x3FB6]  }
0x3d: {  	_ =	shalt  }
0x3e: {  	_ =	shalt  }
0x3f: {  	_ =	shalt  }
0x40: {  	_ =	shalt  }
0x41: {  	_ =	shalt  }
0x42: {  	_ =	shalt  }
0x43: {  	_ =	shalt  }
0x44: {  	_ =	shalt  }
0x45: {  	_ =	shalt  }
0x46: {  	_ =	shalt  }
0x47: {  	_ =	shalt  }
0x48: {  	_ =	shalt  }
0x49: {  	_ =	shalt  }
0x4a: {  	_ =	shalt  }
0x4b: {  	_ =	shalt  }
0x4c: {  	_ =	shalt  }
0x4d: {  	_ =	shalt  }
0x4e: {  	_ =	shalt  }
0x4f: {  	_ =	shalt  }
0x50: {  	_ =	shalt  }
0x51: {  	_ =	shalt  }
0x52: {  	_ =	shalt  }
0x53: {  	_ =	shalt  }
0x54: {  	_ =	shalt  }
0x55: {  	_ =	shalt  }
0x56: {  	_ =	shalt  }
0x57: {  	_ =	shalt  }
0x58: {  	_ =	shalt  }
0x59: {  	_ =	shalt  }
0x5a: {  	_ =	shalt  }
0x5b: {  	_ =	shalt  }
0x5c: {  	_ =	shalt  }
0x5d: {  	_ =	shalt  }
0x5e: {  	_ =	shalt  }
0x5f: {  	_ =	shalt  }
0x60: {  	_ =	shalt  }
0x61: {  	_ =	shalt  }
0x62: {  	_ =	shalt  }
0x63: {  	_ =	shalt  }
0x64: {  	_ =	shalt  }
0x65: {  	_ =	shalt  }
0x66: {  	_ =	shalt  }
0x67: {  	_ =	shalt  }
0x68: {  	_ =	shalt  }
0x69: {  	_ =	shalt  }
0x6a: {  	_ =	shalt  }
0x6b: {  	_ =	shalt  }
0x6c: {  	_ =	shalt  }
0x6d: {  	_ =	shalt  }
0x6e: {  	_ =	shalt  }
0x6f: {  	_ =	shalt  }
0x70: {  	_ =	shalt  }
0x71: {  	_ =	shalt  }
0x72: {  	_ =	shalt  }
0x73: {  	_ =	shalt  }
0x74: {  	_ =	shalt  }
0x75: {  	_ =	shalt  }
0x76: {  	_ =	shalt  }
0x77: {  	_ =	shalt  }
0x78: {  	_ =	shalt  }
0x79: {  	_ =	shalt  }
0x7a: {  	_ =	shalt  }
0x7b: {  	_ =	shalt  }
0x7c: {  	_ =	shalt  }
0x7d: {  	_ =	shalt  }
0x7e: {  	_ =	shalt  }
0x7f: {  	_ =	shalt  }
0x80: {  	_ =	shalt  }
0x81: {  	_ =	shalt  }
0x82: {  	_ =	shalt  }
0x83: {  	_ =	shalt  }
0x84: {  	_ =	shalt  }
0x85: {  	_ =	shalt  }
0x86: {  	_ =	shalt  }
0x87: {  	_ =	shalt  }
.Lfunc_end0:
.L_simem_size_0:
called_computation_lowered:
.L_overlay_start_0:
0x88: {  	s2 =	sld [smem:$0x3FD9]  }
0x89: {  	s3 =	sld [smem:$0x3FFE];
	_ =	sdelay $0x1  }
0x8a: {  	s1 =	srdreg.scid  }
0x8b: {  	s0 =	sand.u32 $0x1, s1  }
0x8c: {  	s17 =	sshll.u32 s0, $0xA;
	s2 =	sadd.s32 s3, s2  }
0x8d: {  	s2 =	sadd.s32 s2, s17  }
0x8e: {  	[smem:$0x3FC2] =	sst s2  }
0x8f: {  	_ = 	snop  }
0x90: {  	s2 =	sld [smem:$0x3FD0];
	(tm) =	ssettm $0x1  }
0x91: {  	s18 =	sld [smem:$0x3FFB];
	_ =	sdelay $0x3  }
0x92: {  	_ =	strace s18  }
0x93: {  	s3 =	sld [smem:$0x3FFC];
	_ =	sdelay $0x3  }
0x94: {  	_ =	strace s3  }
0x95: {  	s3 =	sld [smem:$0x3FFD];
	_ =	sdelay $0x3  }
0x96: {  	_ =	strace s3  }
0x97: {  	_ =	strace $0x8FFFFFFF  }
0x98: {  	s19 =	sld [smem:$0x3FDB];
	_ =	sdelay $0x1  }
0x99: {  	s4 =	simm.s32 $_scs_section_size  }
0x9a: {  	s5 =	simm.s32 $_size__tile_overlayer_lowered;
	s6 =	simm.s32 $_tile_overlayer_lowered  }
0x9b: {  	s22 =	simm.s32 $0x1BFF;
	s21 =	sshll.u32 s6, $0x1;
	s3 =	sadd.s32 s4, s19  }
0x9c: {  	s7 =	simm.s32 $0x0;
	s20 =	sshll.u32 s5, $0x1;
	s5 =	sadd.s32 s21, s3  }
0x9d: {  	[timem:s7], [sflag:s22] =	dma.local [hbm:s5], s20  }
0x9e: {  	_ =	swait.ge [sflag:s22], s20  }
0x9f: {  	s4 =	ssub.s32 $0x0, s20;
	[sflag:s22] =	ssyncset.done $0x0  }
0xa0: {  	[sflag:s22] =	ssyncadd.s32 s4;
	_ =	sdelay $0x1  }
0xa1: {  	s23 =	simm.s32 $0x1B8B  }
0xa2: {  	_ =	swait.ge [sflag:s23], $0x1  }
0xa3: {  	[sflag:s23] =	ssyncset.done $0x0  }
0xa4: {  	s25 =	simm.s32 $0x1B8E;
	s24 =	sld [smem:$0x3FFE];
	[sflag:s23] =	ssyncadd.s32 $0xFFFFFFFF  }
0xa5: {  	s26 =	simm.s32 $execute0_lowered;
	[smem:$0x3FD2] =	sst s25  }
0xa6: {  	s5 =	sshll.u32 s26, $0x1;
	_ =	strace $0x80000046;
	[dreg:$0x1] =	wrdreg $0xFFFFFFFF  }
0xa7: {  	s28 =	simm.s32 $_size_execute0_lowered;
	s3 =	sadd.s32 s3, s5;
	[dreg:$0x0] =	wrdreg $0x0  }
0xa8: {  	s5 =	sshll.u32 s28, $0x1;
	[dreg:$0x2] =	wrdreg s3  }
0xa9: {  	[dreg:$0x3] =	wrdreg s5  }
0xaa: {  	[dreg:$0x4] =	wrdreg $0xC0  }
0xab: {  	_ =	task [dreg:s7], $0x5FFFF  }
0xac: {  	[dreg:$0x1] =	wrdreg $0xFFFFFFFF  }
0xad: {  	[dreg:$0x0] =	wrdreg $0x60  }
0xae: {  	[dreg:$0x2] =	wrdreg s2  }
0xaf: {  	[dreg:$0x3] =	wrdreg s24  }
0xb0: {  	[dreg:$0x4] =	wrdreg $0x68000  }
0xb1: {  	[dreg:$0x5] =	wrdreg $0x9  }
0xb2: {  	_ =	task.clear_ibuf [dreg:s7], $0x6FFFF;
	_ =	strace $0x90000046  }
0xb3: {  	s29 =	simm.s32 $0x9;
	_ =	strace $0x80000048  }
0xb4: {  	_ =	swait.ge [sflag:s29], $0x1  }
0xb5: {  	[sflag:s29] =	ssyncadd.s32 $0xFFFFFFFF  }
0xb6: {  	_ =	strace $0x90000048  }
0xb7: {  	_ =	sfence  }
0xb8: {  	s30 =	sld [smem:$0x0];
	_ =	sdelay $0x2  }
0xb9: {  	s31 =	sshll.u32 s1, $0xD;
	s1 =	sshrl.u32 s1, $0x2  }
0xba: {  	s3 =	sand.u32 $0x4000, s31;
	s1 =	sadd.s32 s1, s30  }
0xbb: {  	s0 =	sor.u32 s3, s0;
	s1 =	sshll.u32 s1, $0x11  }
0xbc: {  	s0 =	sor.u32 s1, s0  }
0xbd: {  	s0 =	sadd.s32 $0x8F2B, s0  }
0xbe: {  	[sflag:s0] =	ssyncadd.remote.s32 $0x1  }
0xbf: {  	_ =	sfence.sel $0xFFFF  }
0xc0: {  	[dreg:$0x0] =	wrdreg $0xFFFFFFFF;
	(pc) =	sbr.abs _section_cstart, $3  }
0xc1: {  	[dreg:$0x1] =	wrdreg $0xFFFFFFFF  }
0xc2: {  	_ =	task.clear_ibuf [dreg:s7], $0x2FFFF;
	_ =	strace $0x9FFFFFFF  }
0xc3: {  	(tm) =	ssettm $0x7FFFFFFF  }
tec
execute0_lowered:
.L_overlay_start_1:
0x0: {  	(tag) =	ssettag $0x1  }
0x1: {  	s7 =	rddreg [dreg:$0x0]  }
0x2: {  	s6 =	rddreg [dreg:$0x1]  }
0x3: {  	s2 =	rddreg [dreg:$0x2]  }
0x4: {  	s0 =	rddreg [dreg:$0x3];
	s4 =	srdreg.scid  }
0x5: {  	s1 =	stileid.u32;
	s3 =	simm.s32 $0x0;
	s12 =	simm.s32 $0x2800  }
0x6: {  	s13 =	simm.s32 $0x80;
	s14 =	simm.s32 $0x100;
	s15 =	simm.s32 $0x180  }
0x7: {  	s16 =	simm.s32 $0x1;
	s17 =	simm.s32 $0x0;
	s8 =	sand.u32 $0x1, s4  }
0x8: {  	s9 =	smul.u32 $0x2780, s1;
	[smem:$0x7FF] =	sst s3;
	s4 =	sadd.s32 $0x2400, s6  }
0x9: {  	s5 =	sadd.s32 $0x1C00, s6;
	s28 =	smul.u32 $0x4F000, s1;
	s11 =	sshll.u32 s1, $0x1  }
0xa: {  	s31 =	sshll.u32 s1, $0x6;
	s10 =	smul.u32 $0x27800, s8;
	s29 =	ssub.s32 $0x2, s8  }
0xb: {  	_ =	strace $0x80000047;
	s8 =	sor.u32 s8, s11;
	s30 =	sshrl.u32 s29, $0x1  }
0xc: {  	s8 =	smul.u32 $0x500, s8;
	s9 =	sadd.s32 s9, s10;
	s10 =	sshrl.u32 s28, $0x2  }
0xd: {  	s11 =	ssub.s32 s29, s30;
	s9 =	sadd.s32 s9, s6;
	s10 =	sadd.s32 s10, s2  }
0xe: {  	s6 =	sor.u32 $0x1C02, s31;
	s7 =	sadd.s32 s7, s8;
	s8 =	sadd.s32 $0x4C00, s9  }
0xf: {  	s9 =	smax.u32 s11, $0x1;
	s10 =	sshrl.u32 s10, $0x3;
	s11 =	simm.s32 $0x2  }
.LBB2_1:
0x10: {  	[spmem:s10], [sflag:s6] =	dma.local [hbm:s4], $0x2780  }
0x11: {  	_ =	swait.ge [sflag:s11], $0x2780  }
0x12: {  	[sflag:s11] =	ssyncset.done $0x0  }
0x13: {  	[sflag:s11] =	ssyncadd.s32 $0xFFFFD880  }
0x14: {  	[tilespmem:s12], [sflag:$0x2] =	stream.linear.gather [hbm4b:s5+s3], $0x4000, $0x38;
	[tilespmem:$0x1A400] =	vst v63  }
0x15: {  	_ =	swait.ge [sflag:s11], $0x4000  }
0x16: {  	[sflag:s11] =	ssyncset.done $0x0  }
0x17: {  	[sflag:s11] =	ssyncadd.s32 $0xFFFFC000  }
0x18: {  	[tilespmem:s3], [sflag:$0x2] =	stream.linear.gather [hbm4b:s7+s3], $0x2780, $0x38;
	[tilespmem:$0x1A400] =	vst v63  }
0x19: {  	_ =	swait.ge [sflag:s11], $0x2780  }
0x1a: {  	[sflag:s11] =	ssyncset.done $0x0  }
0x1b: {  	[sflag:s11] =	ssyncadd.s32 $0xFFFFD880  }
0x1c: {  	[bflag:$0x0] =	sbarrier.arrive $0xFFFF  }
0x1d: {  	[spmem:s2] =	stream.indirect.scatter.add.f32 [tilespmem:s12], [sflag:$0x1], $0x80, s3, s13, $0xb8;
	[tilespmem:$0x1A400] =	vst v63  }
0x1e: {  	_ = 	snop  }
0x1f: {  	[spmem:s2] =	stream.indirect.scatter.add.f32 [tilespmem:s12], [sflag:$0x1], $0x80, s13, s13, $0xb8;
	[tilespmem:$0x1A400] =	vst v63  }
0x20: {  	_ = 	snop  }
0x21: {  	[spmem:s2] =	stream.indirect.scatter.add.f32 [tilespmem:s12], [sflag:$0x1], $0x80, s14, s13, $0xb8;
	[tilespmem:$0x1A400] =	vst v63  }
0x22: {  	_ = 	snop  }
0x23: {  	[spmem:s2] =	stream.indirect.scatter.add.f32 [tilespmem:s12], [sflag:$0x1], $0x80, s15, s13, $0xb8;
	[tilespmem:$0x1A400] =	vst v63  }
0x24: {  	s18 =	simm.s32 $0x200  }
0x25: {  	[spmem:s2] =	stream.indirect.scatter.add.f32 [tilespmem:s12], [sflag:$0x1], $0x80, s18, s13, $0xb8;
	[tilespmem:$0x1A400] =	vst v63  }
0x26: {  	_ =	swait.ge [sflag:s16], $0x4000  }
0x27: {  	s18 =	simm.s32 $0xA00;
	[sflag:s16] =	ssyncset.done $0x0  }
.LBB2_2:
0x28: {  	s19 =	sshra.s32 s18, $0x2;
	[sflag:s16] =	ssyncadd.s32 $0xFFFFC000;
	p0 =	sne.s32 s18, $0x9C00  }
0x29: {  	[spmem:s2] =	stream.indirect.scatter.add.f32 [tilespmem:s12], [sflag:$0x1], $0x80, s19, s13, $0xb8;
	[tilespmem:$0x1A400] =	vst v63  }
.Ltmp0:
0x2a: {  	_ = 	snop;
	(pc) =	sbr.rel @p0 .LBB2_2-.Ltmp0, $4  }
0x2b: {  	_ = 	snop  }
0x2c: {  	s18 =	sadd.s32 $0x200, s18  }
0x2d: {  	_ =	swait.ge [sflag:s16], $0x4000  }
0x2e: {  	[sflag:s16] =	ssyncset.done $0x0  }
0x2f: {  	[sflag:s16] =	ssyncadd.s32 $0xFFFFC000  }
0x30: {  	_ =	swait.ge [sflag:s16], $0x4000  }
0x31: {  	[sflag:s16] =	ssyncset.done $0x0  }
0x32: {  	[sflag:s16] =	ssyncadd.s32 $0xFFFFC000  }
0x33: {  	_ =	swait.ge [sflag:s16], $0x4000  }
0x34: {  	[sflag:s16] =	ssyncset.done $0x0  }
0x35: {  	[sflag:s16] =	ssyncadd.s32 $0xFFFFC000  }
0x36: {  	_ =	swait.ge [sflag:s16], $0x4000  }
0x37: {  	[sflag:s16] =	ssyncset.done $0x0  }
0x38: {  	[sflag:s16] =	ssyncadd.s32 $0xFFFFC000  }
0x39: {  	_ =	swait.ge [sflag:s16], $0x4000  }
0x3a: {  	s17 =	sadd.s32 $0x1, s17;
	[sflag:s16] =	ssyncset.done $0x0  }
0x3b: {  	p0 =	sne.s32 s17, s9;
	[sflag:s16] =	ssyncadd.s32 $0xFFFFC000  }
.Ltmp1:
0x3c: {  	[bflag:$0x0] =	sbarrier.arrive $0xFFFF;
	(pc) =	sbr.rel @p0 .LBB2_1-.Ltmp1, $4  }
0x3d: {  	[hbm:s8], [sflag:s6] =	dma.local [spmem:s10], $0x2780  }
0x3e: {  	_ =	swait.ge [sflag:s11], $0x2780  }
0x3f: {  	[sflag:s11] =	ssyncset.done $0x0  }
0x40: {  	[sflag:s11] =	ssyncadd.s32 $0xFFFFD880  }
0x41: {  	_ =	sfence.sel $0x180000  }
0x42: {  	[bflag:$0x0] =	sbarrier.arrive $0xFFFF  }
0x43: {  	p0 =	sne.s32 s1, $0x0;
	_ =	strace $0x90000047  }
0x44: {  	s0 =	sadd.s32 @!p0 $0x100000, s0;
	[bflag:$0x2] =	sbarrier.arrive $0xFFFF  }
0x45: {  	[sflag:s0] =	ssyncadd.tile.s32 @!p0 $0x1;
	_ =	shalt  }
.Lfunc_end2:
_tile_overlayer_lowered:
.L_overlay_start_2:
0x46: {  	(tag) =	ssettag $0x2  }
0x47: {  	s0 =	rddreg [dreg:$0x0];
	s2 =	stileid.u32  }
0x48: {  	s1 =	rddreg [dreg:$0x1];
	p0 =	sne.s32 s2, $0x0  }
0x49: {  	s3 =	rddreg [dreg:$0x2];
	[bflag:$0x3] =	sbarrier.arrive $0xFFFF;
	s2 =	simm.s32 @!p0 $0x1C02  }
0x4a: {  	[timem:s3], [sflag:s2] =	dma.local @!p0 [hbm:s0], s1  }
0x4b: {  	s0 =	simm.s32 @!p0 $0x2  }
0x4c: {  	_ =	swait.ge @!p0 [sflag:s0], s1  }
0x4d: {  	s1 =	ssub.s32 @!p0 $0x0, s1;
	[sflag:s0] =	ssyncset.done @!p0 $0x0  }
0x4e: {  	[sflag:s0] =	ssyncadd.s32 @!p0 s1  }
0x4f: {  	[bflag:$0x3] =	sbarrier.arrive $0xFFFF  }
0x50: {  	_ =	shalt  }

</sc_bundles>
